<compile_context>
chip_gen: v7x
topology: tpu7x:2x2x1
jax: 0.10.2.dev20260603
libtpu: 0.0.44.dev20260713+nightly
codegen_flags: <defaults>
</compile_context>

<pallas_src>
import functools

import jax
import jax.numpy as jnp
from jax import lax
from jax.experimental import pallas as pl
from jax.experimental.pallas import tpu as pltpu
from jax.experimental.pallas import tpu_sc as plsc

VOCAB = 1000
VPAD = 1024
NTC = VPAD // 128
D_MODEL = 64
BATCH = 1024
SEQ = 50
TPAD = 56

_info = plsc.get_sparse_core_info()
NC, NS = _info.num_cores, _info.num_subcores
NW = NC * NS
B_PER_W = BATCH // NW
IDX_PER_W = B_PER_W * NTC * TPAD


def _mm_body(a_ref, b_ref, o_ref):
    o_ref[...] = lax.dot_general(
        a_ref[...], b_ref[...],
        (((1,), (1,)), ((), ())),
        preferred_element_type=jnp.float32,
    )


def _token_logit_table(embed_table, head_w_pad):
    return pl.pallas_call(
        _mm_body,
        out_shape=jax.ShapeDtypeStruct((VOCAB, VPAD), jnp.float32),
    )(embed_table, head_w_pad)


_mesh = plsc.VectorSubcoreMesh(core_axis_name="c", subcore_axis_name="s")


@functools.partial(
    pl.kernel,
    mesh=_mesh,
    out_type=jax.ShapeDtypeStruct((BATCH, SEQ, VPAD), jnp.float32),
    scratch_types=[
        pltpu.VMEM((IDX_PER_W,), jnp.int32),
        pltpu.VMEM((SEQ, VPAD), jnp.float32),
        pltpu.VMEM((SEQ, VPAD), jnp.float32),
        pltpu.SemaphoreType.DMA,
        pltpu.SemaphoreType.DMA,
    ],
)
def _gather_rows(m8_hbm, idx_hbm, out_hbm, idx_v, buf0, buf1, sem0, sem1):
    wid = lax.axis_index("s") * NC + lax.axis_index("c")
    pltpu.sync_copy(idx_hbm.at[pl.ds(wid * IDX_PER_W, IDX_PER_W)], idx_v)

    def copies(j, buf, sem):
        return [
            pltpu.make_async_copy(
                m8_hbm.at[idx_v.at[pl.ds((j * NTC + tc) * TPAD, SEQ)]],
                buf.at[:, pl.ds(128 * tc, 128)],
                sem,
            )
            for tc in range(NTC)
        ]

    def start(j, buf, sem):
        for c in copies(j, buf, sem):
            c.start()

    def finish(j, buf, sem):
        for c in copies(j, buf, sem):
            c.wait()
        pltpu.sync_copy(buf, out_hbm.at[wid * B_PER_W + j])

    start(0, buf0, sem0)

    def body(g, carry):
        j0 = 2 * g
        start(j0 + 1, buf1, sem1)
        finish(j0, buf0, sem0)

        @pl.when(j0 + 2 < B_PER_W)
        def _():
            start(j0 + 2, buf0, sem0)

        finish(j0 + 1, buf1, sem1)
        return carry

    lax.fori_loop(0, B_PER_W // 2, body, 0)


def kernel(input_ids, embed_table, head_w):
    head_pad = jnp.pad(head_w, ((0, VPAD - VOCAB), (0, 0)))
    m = _token_logit_table(embed_table, head_pad)
    m8 = m.reshape(VOCAB * NTC, 128)
    ids = input_ids.astype(jnp.int32)
    idx_all = (NTC * ids)[:, None, :] + jnp.arange(NTC, dtype=jnp.int32)[None, :, None]
    idx_all = jnp.pad(idx_all, ((0, 0), (0, 0), (0, TPAD - SEQ)))
    return _gather_rows(m8, idx_all.reshape(-1))[:, :, :VOCAB]

# --- scband reference (transcript-rebuilt; emitter-appended) ---
"""Pipeline reference for scband-mock-model-7206955123062 (READ-ONLY COPY).

The authoritative reference and input builder live on the scoring server;
editing this copy changes nothing except your own understanding.
"""

import jax, jax.numpy as jnp
import numpy as np

VOCAB = 1000
D_MODEL = 64
BATCH = 1024
SEQ = 50

def setup_inputs(seed: int = 0) -> dict:
    key = jax.random.key(seed)
    k1, k2, k3 = jax.random.split(key, 3)
    input_ids = jax.random.randint(k1, (BATCH, SEQ), 0, VOCAB, dtype=jnp.int64 if jax.config.jax_enable_x64 else jnp.int32)
    # learned params: embedding table and linear head weight (torch Linear weight is [out, in] = [vocab, d_model])
    embed_table = jax.random.normal(k2, (VOCAB, D_MODEL), dtype=jnp.float32)
    head_w = jax.random.normal(k3, (VOCAB, D_MODEL), dtype=jnp.float32) * (1.0 / np.sqrt(D_MODEL))
    return {"input_ids": input_ids, "embed_table": embed_table, "head_w": head_w}

def reference(input_ids, embed_table, head_w):
    # embedding lookup -> gather rows
    x = jnp.take(embed_table, input_ids, axis=0)  # [B, T, d_model]
    # linear head without bias: x @ W^T -> [B, T, vocab]
    logits = jnp.einsum('btd,vd->btv', x, head_w)
    return logits

if __name__ == "__main__":
    import jax
    _d = setup_inputs()
    print(jax.jit(kernel)(*tuple(_d.values())))

</pallas_src>

<mosaic_0001>
#map = affine_map<(d0, d1) -> (0, 0)>
#map1 = affine_map<(d0, d1) -> (0)>
#map2 = affine_map<(d0, d1) -> (0, 0, 0)>
module attributes {stable_mosaic.version = 14 : i64} {
  func.func @_gather_rows(%arg0: i32, %arg1: i32, %arg2: memref<8000x128xf32, #tpu.memory_space<hbm>>, %arg3: memref<458752xi32, #tpu.memory_space<hbm>>, %arg4: memref<1024x50x1024xf32, #tpu.memory_space<hbm>>, %arg5: memref<14336xi32, #tpu.memory_space<vmem>>, %arg6: memref<50x1024xf32, #tpu.memory_space<vmem>>, %arg7: memref<50x1024xf32, #tpu.memory_space<vmem>>, %arg8: memref<!tpu.dma_semaphore, #tpu.memory_space<semaphore_mem>>, %arg9: memref<!tpu.dma_semaphore, #tpu.memory_space<semaphore_mem>>) attributes {dimension_semantics = [#tpu.dimension_semantics<core_parallel>, #tpu.dimension_semantics<subcore_parallel>], iteration_bounds = array<i64: 2, 16>, scalar_prefetch = 0 : i64, scratch_operands = 5 : i64, tpu.core_type = #tpu.core_type<sc_vector_subcore>, window_params = [{transform_indices = #map}, {transform_indices = #map1}, {transform_indices = #map2}]} {
    %mul3A = arith.constant 2 : i32
    %mul3A_0 = arith.muli %arg1, %mul3A : i32
    %add3A = arith.addi %mul3A_0, %arg0 : i32
    %mul3A_1 = arith.constant 14336 : i32
    %mul3A_2 = arith.muli %add3A, %mul3A_1 : i32
    "tpu.region"() ({
      %run_scoped3A = tpu.sem_alloc : memref<!tpu.dma_semaphore, #tpu.memory_space<semaphore_mem>>
      %dma_start3A_71 = tpu.memref_slice %arg3[%mul3A_2] : memref<458752xi32, #tpu.memory_space<hbm>> -> memref<14336xi32, #tpu.memory_space<hbm>>
      %dma_start3A_72 = tpu.memref_slice %arg3[%mul3A_2] : memref<458752xi32, #tpu.memory_space<hbm>> -> memref<14336xi32, #tpu.memory_space<hbm>>
      tpu.enqueue_dma source(%dma_start3A_72 : memref<14336xi32, #tpu.memory_space<hbm>>) target(%arg5 : memref<14336xi32, #tpu.memory_space<vmem>>) target_semaphore(%run_scoped3A : memref<!tpu.dma_semaphore, #tpu.memory_space<semaphore_mem>>)
      %dma_wait3A = tpu.memref_slice %arg3[%mul3A_2] : memref<458752xi32, #tpu.memory_space<hbm>> -> memref<14336xi32, #tpu.memory_space<hbm>>
      %dma_wait3A_73 = tpu.memref_slice %arg3[%mul3A_2] : memref<458752xi32, #tpu.memory_space<hbm>> -> memref<14336xi32, #tpu.memory_space<hbm>>
      tpu.wait_dma2 semaphore(%run_scoped3A : memref<!tpu.dma_semaphore, #tpu.memory_space<semaphore_mem>>) src(%dma_wait3A_73 : memref<14336xi32, #tpu.memory_space<hbm>>) dst(%arg5 : memref<14336xi32, #tpu.memory_space<vmem>>)
      tpu.yield
    }) : () -> ()
    %dma_start3A = arith.constant 0 : i32
    %dma_start3A_3 = arith.constant 0 : i32
    %dma_start3A_4 = tpu.memref_slice %arg6[%dma_start3A, %dma_start3A_3] : memref<50x1024xf32, #tpu.memory_space<vmem>> -> memref<50x128xf32, #tpu.memory_space<vmem>>
    %dma_start3A_5 = arith.constant 0 : i32
    %dma_start3A_6 = tpu.memref_slice %arg5[%dma_start3A_5] : memref<14336xi32, #tpu.memory_space<vmem>> -> memref<50xi32, #tpu.memory_space<vmem>>
    %dma_start3A_7 = arith.constant 0 : i32
    %dma_start3A_8 = arith.constant 0 : i32
    %dma_start3A_9 = tpu.memref_slice %arg2[%dma_start3A_7, %dma_start3A_8] : memref<8000x128xf32, #tpu.memory_space<hbm>> -> memref<8000x128xf32, #tpu.memory_space<hbm>>
    tpu.enqueue_indirect_dma source(%dma_start3A_9 : memref<8000x128xf32, #tpu.memory_space<hbm>>) target(%dma_start3A_4 : memref<50x128xf32, #tpu.memory_space<vmem>>) offsets(%dma_start3A_6 : memref<50xi32, #tpu.memory_space<vmem>>) semaphore(%arg8 : memref<!tpu.dma_semaphore, #tpu.memory_space<semaphore_mem>>)
    %dma_start3A_10 = arith.constant 0 : i32
    %dma_start3A_11 = arith.constant 128 : i32
    %dma_start3A_12 = tpu.memref_slice %arg6[%dma_start3A_10, %dma_start3A_11] : memref<50x1024xf32, #tpu.memory_space<vmem>> -> memref<50x128xf32, #tpu.memory_space<vmem>>
    %dma_start3A_13 = arith.constant 56 : i32
    %dma_start3A_14 = tpu.memref_slice %arg5[%dma_start3A_13] : memref<14336xi32, #tpu.memory_space<vmem>> -> memref<50xi32, #tpu.memory_space<vmem>>
    %dma_start3A_15 = arith.constant 0 : i32
    %dma_start3A_16 = arith.constant 0 : i32
    %dma_start3A_17 = tpu.memref_slice %arg2[%dma_start3A_15, %dma_start3A_16] : memref<8000x128xf32, #tpu.memory_space<hbm>> -> memref<8000x128xf32, #tpu.memory_space<hbm>>
    tpu.enqueue_indirect_dma source(%dma_start3A_17 : memref<8000x128xf32, #tpu.memory_space<hbm>>) target(%dma_start3A_12 : memref<50x128xf32, #tpu.memory_space<vmem>>) offsets(%dma_start3A_14 : memref<50xi32, #tpu.memory_space<vmem>>) semaphore(%arg8 : memref<!tpu.dma_semaphore, #tpu.memory_space<semaphore_mem>>)
    %dma_start3A_18 = arith.constant 0 : i32
    %dma_start3A_19 = arith.constant 256 : i32
    %dma_start3A_20 = tpu.memref_slice %arg6[%dma_start3A_18, %dma_start3A_19] : memref<50x1024xf32, #tpu.memory_space<vmem>> -> memref<50x128xf32, #tpu.memory_space<vmem>>
    %dma_start3A_21 = arith.constant 112 : i32
    %dma_start3A_22 = tpu.memref_slice %arg5[%dma_start3A_21] : memref<14336xi32, #tpu.memory_space<vmem>> -> memref<50xi32, #tpu.memory_space<vmem>>
    %dma_start3A_23 = arith.constant 0 : i32
    %dma_start3A_24 = arith.constant 0 : i32
    %dma_start3A_25 = tpu.memref_slice %arg2[%dma_start3A_23, %dma_start3A_24] : memref<8000x128xf32, #tpu.memory_space<hbm>> -> memref<8000x128xf32, #tpu.memory_space<hbm>>
    tpu.enqueue_indirect_dma source(%dma_start3A_25 : memref<8000x128xf32, #tpu.memory_space<hbm>>) target(%dma_start3A_20 : memref<50x128xf32, #tpu.memory_space<vmem>>) offsets(%dma_start3A_22 : memref<50xi32, #tpu.memory_space<vmem>>) semaphore(%arg8 : memref<!tpu.dma_semaphore, #tpu.memory_space<semaphore_mem>>)
    %dma_start3A_26 = arith.constant 0 : i32
    %dma_start3A_27 = arith.constant 384 : i32
    %dma_start3A_28 = tpu.memref_slice %arg6[%dma_start3A_26, %dma_start3A_27] : memref<50x1024xf32, #tpu.memory_space<vmem>> -> memref<50x128xf32, #tpu.memory_space<vmem>>
    %dma_start3A_29 = arith.constant 168 : i32
    %dma_start3A_30 = tpu.memref_slice %arg5[%dma_start3A_29] : memref<14336xi32, #tpu.memory_space<vmem>> -> memref<50xi32, #tpu.memory_space<vmem>>
    %dma_start3A_31 = arith.constant 0 : i32
    %dma_start3A_32 = arith.constant 0 : i32
    %dma_start3A_33 = tpu.memref_slice %arg2[%dma_start3A_31, %dma_start3A_32] : memref<8000x128xf32, #tpu.memory_space<hbm>> -> memref<8000x128xf32, #tpu.memory_space<hbm>>
    tpu.enqueue_indirect_dma source(%dma_start3A_33 : memref<8000x128xf32, #tpu.memory_space<hbm>>) target(%dma_start3A_28 : memref<50x128xf32, #tpu.memory_space<vmem>>) offsets(%dma_start3A_30 : memref<50xi32, #tpu.memory_space<vmem>>) semaphore(%arg8 : memref<!tpu.dma_semaphore, #tpu.memory_space<semaphore_mem>>)
    %dma_start3A_34 = arith.constant 0 : i32
    %dma_start3A_35 = arith.constant 512 : i32
    %dma_start3A_36 = tpu.memref_slice %arg6[%dma_start3A_34, %dma_start3A_35] : memref<50x1024xf32, #tpu.memory_space<vmem>> -> memref<50x128xf32, #tpu.memory_space<vmem>>
    %dma_start3A_37 = arith.constant 224 : i32
    %dma_start3A_38 = tpu.memref_slice %arg5[%dma_start3A_37] : memref<14336xi32, #tpu.memory_space<vmem>> -> memref<50xi32, #tpu.memory_space<vmem>>
    %dma_start3A_39 = arith.constant 0 : i32
    %dma_start3A_40 = arith.constant 0 : i32
    %dma_start3A_41 = tpu.memref_slice %arg2[%dma_start3A_39, %dma_start3A_40] : memref<8000x128xf32, #tpu.memory_space<hbm>> -> memref<8000x128xf32, #tpu.memory_space<hbm>>
    tpu.enqueue_indirect_dma source(%dma_start3A_41 : memref<8000x128xf32, #tpu.memory_space<hbm>>) target(%dma_start3A_36 : memref<50x128xf32, #tpu.memory_space<vmem>>) offsets(%dma_start3A_38 : memref<50xi32, #tpu.memory_space<vmem>>) semaphore(%arg8 : memref<!tpu.dma_semaphore, #tpu.memory_space<semaphore_mem>>)
    %dma_start3A_42 = arith.constant 0 : i32
    %dma_start3A_43 = arith.constant 640 : i32
    %dma_start3A_44 = tpu.memref_slice %arg6[%dma_start3A_42, %dma_start3A_43] : memref<50x1024xf32, #tpu.memory_space<vmem>> -> memref<50x128xf32, #tpu.memory_space<vmem>>
    %dma_start3A_45 = arith.constant 280 : i32
    %dma_start3A_46 = tpu.memref_slice %arg5[%dma_start3A_45] : memref<14336xi32, #tpu.memory_space<vmem>> -> memref<50xi32, #tpu.memory_space<vmem>>
    %dma_start3A_47 = arith.constant 0 : i32
    %dma_start3A_48 = arith.constant 0 : i32
    %dma_start3A_49 = tpu.memref_slice %arg2[%dma_start3A_47, %dma_start3A_48] : memref<8000x128xf32, #tpu.memory_space<hbm>> -> memref<8000x128xf32, #tpu.memory_space<hbm>>
    tpu.enqueue_indirect_dma source(%dma_start3A_49 : memref<8000x128xf32, #tpu.memory_space<hbm>>) target(%dma_start3A_44 : memref<50x128xf32, #tpu.memory_space<vmem>>) offsets(%dma_start3A_46 : memref<50xi32, #tpu.memory_space<vmem>>) semaphore(%arg8 : memref<!tpu.dma_semaphore, #tpu.memory_space<semaphore_mem>>)
    %dma_start3A_50 = arith.constant 0 : i32
    %dma_start3A_51 = arith.constant 768 : i32
    %dma_start3A_52 = tpu.memref_slice %arg6[%dma_start3A_50, %dma_start3A_51] : memref<50x1024xf32, #tpu.memory_space<vmem>> -> memref<50x128xf32, #tpu.memory_space<vmem>>
    %dma_start3A_53 = arith.constant 336 : i32
    %dma_start3A_54 = tpu.memref_slice %arg5[%dma_start3A_53] : memref<14336xi32, #tpu.memory_space<vmem>> -> memref<50xi32, #tpu.memory_space<vmem>>
    %dma_start3A_55 = arith.constant 0 : i32
    %dma_start3A_56 = arith.constant 0 : i32
    %dma_start3A_57 = tpu.memref_slice %arg2[%dma_start3A_55, %dma_start3A_56] : memref<8000x128xf32, #tpu.memory_space<hbm>> -> memref<8000x128xf32, #tpu.memory_space<hbm>>
    tpu.enqueue_indirect_dma source(%dma_start3A_57 : memref<8000x128xf32, #tpu.memory_space<hbm>>) target(%dma_start3A_52 : memref<50x128xf32, #tpu.memory_space<vmem>>) offsets(%dma_start3A_54 : memref<50xi32, #tpu.memory_space<vmem>>) semaphore(%arg8 : memref<!tpu.dma_semaphore, #tpu.memory_space<semaphore_mem>>)
    %dma_start3A_58 = arith.constant 0 : i32
    %dma_start3A_59 = arith.constant 896 : i32
    %dma_start3A_60 = tpu.memref_slice %arg6[%dma_start3A_58, %dma_start3A_59] : memref<50x1024xf32, #tpu.memory_space<vmem>> -> memref<50x128xf32, #tpu.memory_space<vmem>>
    %dma_start3A_61 = arith.constant 392 : i32
    %dma_start3A_62 = tpu.memref_slice %arg5[%dma_start3A_61] : memref<14336xi32, #tpu.memory_space<vmem>> -> memref<50xi32, #tpu.memory_space<vmem>>
    %dma_start3A_63 = arith.constant 0 : i32
    %dma_start3A_64 = arith.constant 0 : i32
    %dma_start3A_65 = tpu.memref_slice %arg2[%dma_start3A_63, %dma_start3A_64] : memref<8000x128xf32, #tpu.memory_space<hbm>> -> memref<8000x128xf32, #tpu.memory_space<hbm>>
    tpu.enqueue_indirect_dma source(%dma_start3A_65 : memref<8000x128xf32, #tpu.memory_space<hbm>>) target(%dma_start3A_60 : memref<50x128xf32, #tpu.memory_space<vmem>>) offsets(%dma_start3A_62 : memref<50xi32, #tpu.memory_space<vmem>>) semaphore(%arg8 : memref<!tpu.dma_semaphore, #tpu.memory_space<semaphore_mem>>)
    %scan3A = arith.constant 0 : i32
    %scan3A_66 = arith.constant 0 : i32
    %scan3A_67 = arith.constant 16 : i32
    %scan3A_68 = arith.addi %scan3A_66, %scan3A_67 : i32
    %scan3A_69 = arith.constant 1 : i32
    scf.for %scan3A_71 = %scan3A_66 to %scan3A_68 step %scan3A_69  : i32 {
      %mul3A_72 = arith.constant 2 : i32
      %mul3A_73 = arith.muli %mul3A_72, %scan3A_71 : i32
      %add3A_74 = arith.constant 1 : i32
      %add3A_75 = arith.addi %mul3A_73, %add3A_74 : i32
      %mul3A_76 = arith.constant 8 : i32
      %mul3A_77 = arith.muli %add3A_75, %mul3A_76 : i32
      %add3A_78 = arith.constant 0 : i32
      %add3A_79 = arith.addi %mul3A_77, %add3A_78 : i32
      %mul3A_80 = arith.constant 56 : i32
      %mul3A_81 = arith.muli %add3A_79, %mul3A_80 : i32
      %mul3A_82 = arith.constant 8 : i32
      %mul3A_83 = arith.muli %add3A_75, %mul3A_82 : i32
      %add3A_84 = arith.constant 1 : i32
      %add3A_85 = arith.addi %mul3A_83, %add3A_84 : i32
      %mul3A_86 = arith.constant 56 : i32
      %mul3A_87 = arith.muli %add3A_85, %mul3A_86 : i32
      %mul3A_88 = arith.constant 8 : i32
      %mul3A_89 = arith.muli %add3A_75, %mul3A_88 : i32
      %add3A_90 = arith.constant 2 : i32
      %add3A_91 = arith.addi %mul3A_89, %add3A_90 : i32
      %mul3A_92 = arith.constant 56 : i32
      %mul3A_93 = arith.muli %add3A_91, %mul3A_92 : i32
      %mul3A_94 = arith.constant 8 : i32
      %mul3A_95 = arith.muli %add3A_75, %mul3A_94 : i32
      %add3A_96 = arith.constant 3 : i32
      %add3A_97 = arith.addi %mul3A_95, %add3A_96 : i32
      %mul3A_98 = arith.constant 56 : i32
      %mul3A_99 = arith.muli %add3A_97, %mul3A_98 : i32
      %mul3A_100 = arith.constant 8 : i32
      %mul3A_101 = arith.muli %add3A_75, %mul3A_100 : i32
      %add3A_102 = arith.constant 4 : i32
      %add3A_103 = arith.addi %mul3A_101, %add3A_102 : i32
      %mul3A_104 = arith.constant 56 : i32
      %mul3A_105 = arith.muli %add3A_103, %mul3A_104 : i32
      %mul3A_106 = arith.constant 8 : i32
      %mul3A_107 = arith.muli %add3A_75, %mul3A_106 : i32
      %add3A_108 = arith.constant 5 : i32
      %add3A_109 = arith.addi %mul3A_107, %add3A_108 : i32
      %mul3A_110 = arith.constant 56 : i32
      %mul3A_111 = arith.muli %add3A_109, %mul3A_110 : i32
      %mul3A_112 = arith.constant 8 : i32
      %mul3A_113 = arith.muli %add3A_75, %mul3A_112 : i32
      %add3A_114 = arith.constant 6 : i32
      %add3A_115 = arith.addi %mul3A_113, %add3A_114 : i32
      %mul3A_116 = arith.constant 56 : i32
      %mul3A_117 = arith.muli %add3A_115, %mul3A_116 : i32
      %mul3A_118 = arith.constant 8 : i32
      %mul3A_119 = arith.muli %add3A_75, %mul3A_118 : i32
      %add3A_120 = arith.constant 7 : i32
      %add3A_121 = arith.addi %mul3A_119, %add3A_120 : i32
      %mul3A_122 = arith.constant 56 : i32
      %mul3A_123 = arith.muli %add3A_121, %mul3A_122 : i32
      %dma_start3A_124 = arith.constant 0 : i32
      %dma_start3A_125 = arith.constant 0 : i32
      %dma_start3A_126 = tpu.memref_slice %arg7[%dma_start3A_124, %dma_start3A_125] : memref<50x1024xf32, #tpu.memory_space<vmem>> -> memref<50x128xf32, #tpu.memory_space<vmem>>
      %dma_start3A_127 = tpu.memref_slice %arg5[%mul3A_81] : memref<14336xi32, #tpu.memory_space<vmem>> -> memref<50xi32, #tpu.memory_space<vmem>>
      %dma_start3A_128 = arith.constant 0 : i32
      %dma_start3A_129 = arith.constant 0 : i32
      %dma_start3A_130 = tpu.memref_slice %arg2[%dma_start3A_128, %dma_start3A_129] : memref<8000x128xf32, #tpu.memory_space<hbm>> -> memref<8000x128xf32, #tpu.memory_space<hbm>>
      tpu.enqueue_indirect_dma source(%dma_start3A_130 : memref<8000x128xf32, #tpu.memory_space<hbm>>) target(%dma_start3A_126 : memref<50x128xf32, #tpu.memory_space<vmem>>) offsets(%dma_start3A_127 : memref<50xi32, #tpu.memory_space<vmem>>) semaphore(%arg9 : memref<!tpu.dma_semaphore, #tpu.memory_space<semaphore_mem>>)
      %dma_start3A_131 = arith.constant 0 : i32
      %dma_start3A_132 = arith.constant 128 : i32
      %dma_start3A_133 = tpu.memref_slice %arg7[%dma_start3A_131, %dma_start3A_132] : memref<50x1024xf32, #tpu.memory_space<vmem>> -> memref<50x128xf32, #tpu.memory_space<vmem>>
      %dma_start3A_134 = tpu.memref_slice %arg5[%mul3A_87] : memref<14336xi32, #tpu.memory_space<vmem>> -> memref<50xi32, #tpu.memory_space<vmem>>
      %dma_start3A_135 = arith.constant 0 : i32
      %dma_start3A_136 = arith.constant 0 : i32
      %dma_start3A_137 = tpu.memref_slice %arg2[%dma_start3A_135, %dma_start3A_136] : memref<8000x128xf32, #tpu.memory_space<hbm>> -> memref<8000x128xf32, #tpu.memory_space<hbm>>
      tpu.enqueue_indirect_dma source(%dma_start3A_137 : memref<8000x128xf32, #tpu.memory_space<hbm>>) target(%dma_start3A_133 : memref<50x128xf32, #tpu.memory_space<vmem>>) offsets(%dma_start3A_134 : memref<50xi32, #tpu.memory_space<vmem>>) semaphore(%arg9 : memref<!tpu.dma_semaphore, #tpu.memory_space<semaphore_mem>>)
      %dma_start3A_138 = arith.constant 0 : i32
      %dma_start3A_139 = arith.constant 256 : i32
      %dma_start3A_140 = tpu.memref_slice %arg7[%dma_start3A_138, %dma_start3A_139] : memref<50x1024xf32, #tpu.memory_space<vmem>> -> memref<50x128xf32, #tpu.memory_space<vmem>>
      %dma_start3A_141 = tpu.memref_slice %arg5[%mul3A_93] : memref<14336xi32, #tpu.memory_space<vmem>> -> memref<50xi32, #tpu.memory_space<vmem>>
      %dma_start3A_142 = arith.constant 0 : i32
      %dma_start3A_143 = arith.constant 0 : i32
      %dma_start3A_144 = tpu.memref_slice %arg2[%dma_start3A_142, %dma_start3A_143] : memref<8000x128xf32, #tpu.memory_space<hbm>> -> memref<8000x128xf32, #tpu.memory_space<hbm>>
      tpu.enqueue_indirect_dma source(%dma_start3A_144 : memref<8000x128xf32, #tpu.memory_space<hbm>>) target(%dma_start3A_140 : memref<50x128xf32, #tpu.memory_space<vmem>>) offsets(%dma_start3A_141 : memref<50xi32, #tpu.memory_space<vmem>>) semaphore(%arg9 : memref<!tpu.dma_semaphore, #tpu.memory_space<semaphore_mem>>)
      %dma_start3A_145 = arith.constant 0 : i32
      %dma_start3A_146 = arith.constant 384 : i32
      %dma_start3A_147 = tpu.memref_slice %arg7[%dma_start3A_145, %dma_start3A_146] : memref<50x1024xf32, #tpu.memory_space<vmem>> -> memref<50x128xf32, #tpu.memory_space<vmem>>
      %dma_start3A_148 = tpu.memref_slice %arg5[%mul3A_99] : memref<14336xi32, #tpu.memory_space<vmem>> -> memref<50xi32, #tpu.memory_space<vmem>>
      %dma_start3A_149 = arith.constant 0 : i32
      %dma_start3A_150 = arith.constant 0 : i32
      %dma_start3A_151 = tpu.memref_slice %arg2[%dma_start3A_149, %dma_start3A_150] : memref<8000x128xf32, #tpu.memory_space<hbm>> -> memref<8000x128xf32, #tpu.memory_space<hbm>>
      tpu.enqueue_indirect_dma source(%dma_start3A_151 : memref<8000x128xf32, #tpu.memory_space<hbm>>) target(%dma_start3A_147 : memref<50x128xf32, #tpu.memory_space<vmem>>) offsets(%dma_start3A_148 : memref<50xi32, #tpu.memory_space<vmem>>) semaphore(%arg9 : memref<!tpu.dma_semaphore, #tpu.memory_space<semaphore_mem>>)
      %dma_start3A_152 = arith.constant 0 : i32
      %dma_start3A_153 = arith.constant 512 : i32
      %dma_start3A_154 = tpu.memref_slice %arg7[%dma_start3A_152, %dma_start3A_153] : memref<50x1024xf32, #tpu.memory_space<vmem>> -> memref<50x128xf32, #tpu.memory_space<vmem>>
      %dma_start3A_155 = tpu.memref_slice %arg5[%mul3A_105] : memref<14336xi32, #tpu.memory_space<vmem>> -> memref<50xi32, #tpu.memory_space<vmem>>
      %dma_start3A_156 = arith.constant 0 : i32
      %dma_start3A_157 = arith.constant 0 : i32
      %dma_start3A_158 = tpu.memref_slice %arg2[%dma_start3A_156, %dma_start3A_157] : memref<8000x128xf32, #tpu.memory_space<hbm>> -> memref<8000x128xf32, #tpu.memory_space<hbm>>
      tpu.enqueue_indirect_dma source(%dma_start3A_158 : memref<8000x128xf32, #tpu.memory_space<hbm>>) target(%dma_start3A_154 : memref<50x128xf32, #tpu.memory_space<vmem>>) offsets(%dma_start3A_155 : memref<50xi32, #tpu.memory_space<vmem>>) semaphore(%arg9 : memref<!tpu.dma_semaphore, #tpu.memory_space<semaphore_mem>>)
      %dma_start3A_159 = arith.constant 0 : i32
      %dma_start3A_160 = arith.constant 640 : i32
      %dma_start3A_161 = tpu.memref_slice %arg7[%dma_start3A_159, %dma_start3A_160] : memref<50x1024xf32, #tpu.memory_space<vmem>> -> memref<50x128xf32, #tpu.memory_space<vmem>>
      %dma_start3A_162 = tpu.memref_slice %arg5[%mul3A_111] : memref<14336xi32, #tpu.memory_space<vmem>> -> memref<50xi32, #tpu.memory_space<vmem>>
      %dma_start3A_163 = arith.constant 0 : i32
      %dma_start3A_164 = arith.constant 0 : i32
      %dma_start3A_165 = tpu.memref_slice %arg2[%dma_start3A_163, %dma_start3A_164] : memref<8000x128xf32, #tpu.memory_space<hbm>> -> memref<8000x128xf32, #tpu.memory_space<hbm>>
      tpu.enqueue_indirect_dma source(%dma_start3A_165 : memref<8000x128xf32, #tpu.memory_space<hbm>>) target(%dma_start3A_161 : memref<50x128xf32, #tpu.memory_space<vmem>>) offsets(%dma_start3A_162 : memref<50xi32, #tpu.memory_space<vmem>>) semaphore(%arg9 : memref<!tpu.dma_semaphore, #tpu.memory_space<semaphore_mem>>)
      %dma_start3A_166 = arith.constant 0 : i32
      %dma_start3A_167 = arith.constant 768 : i32
      %dma_start3A_168 = tpu.memref_slice %arg7[%dma_start3A_166, %dma_start3A_167] : memref<50x1024xf32, #tpu.memory_space<vmem>> -> memref<50x128xf32, #tpu.memory_space<vmem>>
      %dma_start3A_169 = tpu.memref_slice %arg5[%mul3A_117] : memref<14336xi32, #tpu.memory_space<vmem>> -> memref<50xi32, #tpu.memory_space<vmem>>
      %dma_start3A_170 = arith.constant 0 : i32
      %dma_start3A_171 = arith.constant 0 : i32
      %dma_start3A_172 = tpu.memref_slice %arg2[%dma_start3A_170, %dma_start3A_171] : memref<8000x128xf32, #tpu.memory_space<hbm>> -> memref<8000x128xf32, #tpu.memory_space<hbm>>
      tpu.enqueue_indirect_dma source(%dma_start3A_172 : memref<8000x128xf32, #tpu.memory_space<hbm>>) target(%dma_start3A_168 : memref<50x128xf32, #tpu.memory_space<vmem>>) offsets(%dma_start3A_169 : memref<50xi32, #tpu.memory_space<vmem>>) semaphore(%arg9 : memref<!tpu.dma_semaphore, #tpu.memory_space<semaphore_mem>>)
      %dma_start3A_173 = arith.constant 0 : i32
      %dma_start3A_174 = arith.constant 896 : i32
      %dma_start3A_175 = tpu.memref_slice %arg7[%dma_start3A_173, %dma_start3A_174] : memref<50x1024xf32, #tpu.memory_space<vmem>> -> memref<50x128xf32, #tpu.memory_space<vmem>>
      %dma_start3A_176 = tpu.memref_slice %arg5[%mul3A_123] : memref<14336xi32, #tpu.memory_space<vmem>> -> memref<50xi32, #tpu.memory_space<vmem>>
      %dma_start3A_177 = arith.constant 0 : i32
      %dma_start3A_178 = arith.constant 0 : i32
      %dma_start3A_179 = tpu.memref_slice %arg2[%dma_start3A_177, %dma_start3A_178] : memref<8000x128xf32, #tpu.memory_space<hbm>> -> memref<8000x128xf32, #tpu.memory_space<hbm>>
      tpu.enqueue_indirect_dma source(%dma_start3A_179 : memref<8000x128xf32, #tpu.memory_space<hbm>>) target(%dma_start3A_175 : memref<50x128xf32, #tpu.memory_space<vmem>>) offsets(%dma_start3A_176 : memref<50xi32, #tpu.memory_space<vmem>>) semaphore(%arg9 : memref<!tpu.dma_semaphore, #tpu.memory_space<semaphore_mem>>)
      %mul3A_180 = arith.constant 8 : i32
      %mul3A_181 = arith.muli %mul3A_73, %mul3A_180 : i32
      %add3A_182 = arith.constant 0 : i32
      %add3A_183 = arith.addi %mul3A_181, %add3A_182 : i32
      %mul3A_184 = arith.constant 56 : i32
      %mul3A_185 = arith.muli %add3A_183, %mul3A_184 : i32
      %mul3A_186 = arith.constant 8 : i32
      %mul3A_187 = arith.muli %mul3A_73, %mul3A_186 : i32
      %add3A_188 = arith.constant 1 : i32
      %add3A_189 = arith.addi %mul3A_187, %add3A_188 : i32
      %mul3A_190 = arith.constant 56 : i32
      %mul3A_191 = arith.muli %add3A_189, %mul3A_190 : i32
      %mul3A_192 = arith.constant 8 : i32
      %mul3A_193 = arith.muli %mul3A_73, %mul3A_192 : i32
      %add3A_194 = arith.constant 2 : i32
      %add3A_195 = arith.addi %mul3A_193, %add3A_194 : i32
      %mul3A_196 = arith.constant 56 : i32
      %mul3A_197 = arith.muli %add3A_195, %mul3A_196 : i32
      %mul3A_198 = arith.constant 8 : i32
      %mul3A_199 = arith.muli %mul3A_73, %mul3A_198 : i32
      %add3A_200 = arith.constant 3 : i32
      %add3A_201 = arith.addi %mul3A_199, %add3A_200 : i32
      %mul3A_202 = arith.constant 56 : i32
      %mul3A_203 = arith.muli %add3A_201, %mul3A_202 : i32
      %mul3A_204 = arith.constant 8 : i32
      %mul3A_205 = arith.muli %mul3A_73, %mul3A_204 : i32
      %add3A_206 = arith.constant 4 : i32
      %add3A_207 = arith.addi %mul3A_205, %add3A_206 : i32
      %mul3A_208 = arith.constant 56 : i32
      %mul3A_209 = arith.muli %add3A_207, %mul3A_208 : i32
      %mul3A_210 = arith.constant 8 : i32
      %mul3A_211 = arith.muli %mul3A_73, %mul3A_210 : i32
      %add3A_212 = arith.constant 5 : i32
      %add3A_213 = arith.addi %mul3A_211, %add3A_212 : i32
      %mul3A_214 = arith.constant 56 : i32
      %mul3A_215 = arith.muli %add3A_213, %mul3A_214 : i32
      %mul3A_216 = arith.constant 8 : i32
      %mul3A_217 = arith.muli %mul3A_73, %mul3A_216 : i32
      %add3A_218 = arith.constant 6 : i32
      %add3A_219 = arith.addi %mul3A_217, %add3A_218 : i32
      %mul3A_220 = arith.constant 56 : i32
      %mul3A_221 = arith.muli %add3A_219, %mul3A_220 : i32
      %mul3A_222 = arith.constant 8 : i32
      %mul3A_223 = arith.muli %mul3A_73, %mul3A_222 : i32
      %add3A_224 = arith.constant 7 : i32
      %add3A_225 = arith.addi %mul3A_223, %add3A_224 : i32
      %mul3A_226 = arith.constant 56 : i32
      %mul3A_227 = arith.muli %add3A_225, %mul3A_226 : i32
      %dma_wait3A = arith.constant 0 : i32
      %dma_wait3A_228 = arith.constant 0 : i32
      %dma_wait3A_229 = tpu.memref_slice %arg6[%dma_wait3A, %dma_wait3A_228] : memref<50x1024xf32, #tpu.memory_space<vmem>> -> memref<50x128xf32, #tpu.memory_space<vmem>>
      %dma_wait3A_230 = tpu.memref_slice %arg5[%mul3A_185] : memref<14336xi32, #tpu.memory_space<vmem>> -> memref<50xi32, #tpu.memory_space<vmem>>
      %dma_wait3A_231 = arith.constant 0 : i32
      %dma_wait3A_232 = arith.constant 0 : i32
      %dma_wait3A_233 = tpu.memref_slice %arg2[%dma_wait3A_231, %dma_wait3A_232] : memref<8000x128xf32, #tpu.memory_space<hbm>> -> memref<8000x128xf32, #tpu.memory_space<hbm>>
      tpu.wait_indirect_dma semaphore(%arg8 : memref<!tpu.dma_semaphore, #tpu.memory_space<semaphore_mem>>) src(%dma_wait3A_233 : memref<8000x128xf32, #tpu.memory_space<hbm>>) dst(%dma_wait3A_229 : memref<50x128xf32, #tpu.memory_space<vmem>>)
      %dma_wait3A_234 = arith.constant 0 : i32
      %dma_wait3A_235 = arith.constant 128 : i32
      %dma_wait3A_236 = tpu.memref_slice %arg6[%dma_wait3A_234, %dma_wait3A_235] : memref<50x1024xf32, #tpu.memory_space<vmem>> -> memref<50x128xf32, #tpu.memory_space<vmem>>
      %dma_wait3A_237 = tpu.memref_slice %arg5[%mul3A_191] : memref<14336xi32, #tpu.memory_space<vmem>> -> memref<50xi32, #tpu.memory_space<vmem>>
      %dma_wait3A_238 = arith.constant 0 : i32
      %dma_wait3A_239 = arith.constant 0 : i32
      %dma_wait3A_240 = tpu.memref_slice %arg2[%dma_wait3A_238, %dma_wait3A_239] : memref<8000x128xf32, #tpu.memory_space<hbm>> -> memref<8000x128xf32, #tpu.memory_space<hbm>>
      tpu.wait_indirect_dma semaphore(%arg8 : memref<!tpu.dma_semaphore, #tpu.memory_space<semaphore_mem>>) src(%dma_wait3A_240 : memref<8000x128xf32, #tpu.memory_space<hbm>>) dst(%dma_wait3A_236 : memref<50x128xf32, #tpu.memory_space<vmem>>)
      %dma_wait3A_241 = arith.constant 0 : i32
      %dma_wait3A_242 = arith.constant 256 : i32
      %dma_wait3A_243 = tpu.memref_slice %arg6[%dma_wait3A_241, %dma_wait3A_242] : memref<50x1024xf32, #tpu.memory_space<vmem>> -> memref<50x128xf32, #tpu.memory_space<vmem>>
      %dma_wait3A_244 = tpu.memref_slice %arg5[%mul3A_197] : memref<14336xi32, #tpu.memory_space<vmem>> -> memref<50xi32, #tpu.memory_space<vmem>>
      %dma_wait3A_245 = arith.constant 0 : i32
      %dma_wait3A_246 = arith.constant 0 : i32
      %dma_wait3A_247 = tpu.memref_slice %arg2[%dma_wait3A_245, %dma_wait3A_246] : memref<8000x128xf32, #tpu.memory_space<hbm>> -> memref<8000x128xf32, #tpu.memory_space<hbm>>
      tpu.wait_indirect_dma semaphore(%arg8 : memref<!tpu.dma_semaphore, #tpu.memory_space<semaphore_mem>>) src(%dma_wait3A_247 : memref<8000x128xf32, #tpu.memory_space<hbm>>) dst(%dma_wait3A_243 : memref<50x128xf32, #tpu.memory_space<vmem>>)
      %dma_wait3A_248 = arith.constant 0 : i32
      %dma_wait3A_249 = arith.constant 384 : i32
      %dma_wait3A_250 = tpu.memref_slice %arg6[%dma_wait3A_248, %dma_wait3A_249] : memref<50x1024xf32, #tpu.memory_space<vmem>> -> memref<50x128xf32, #tpu.memory_space<vmem>>
      %dma_wait3A_251 = tpu.memref_slice %arg5[%mul3A_203] : memref<14336xi32, #tpu.memory_space<vmem>> -> memref<50xi32, #tpu.memory_space<vmem>>
      %dma_wait3A_252 = arith.constant 0 : i32
      %dma_wait3A_253 = arith.constant 0 : i32
      %dma_wait3A_254 = tpu.memref_slice %arg2[%dma_wait3A_252, %dma_wait3A_253] : memref<8000x128xf32, #tpu.memory_space<hbm>> -> memref<8000x128xf32, #tpu.memory_space<hbm>>
      tpu.wait_indirect_dma semaphore(%arg8 : memref<!tpu.dma_semaphore, #tpu.memory_space<semaphore_mem>>) src(%dma_wait3A_254 : memref<8000x128xf32, #tpu.memory_space<hbm>>) dst(%dma_wait3A_250 : memref<50x128xf32, #tpu.memory_space<vmem>>)
      %dma_wait3A_255 = arith.constant 0 : i32
      %dma_wait3A_256 = arith.constant 512 : i32
      %dma_wait3A_257 = tpu.memref_slice %arg6[%dma_wait3A_255, %dma_wait3A_256] : memref<50x1024xf32, #tpu.memory_space<vmem>> -> memref<50x128xf32, #tpu.memory_space<vmem>>
      %dma_wait3A_258 = tpu.memref_slice %arg5[%mul3A_209] : memref<14336xi32, #tpu.memory_space<vmem>> -> memref<50xi32, #tpu.memory_space<vmem>>
      %dma_wait3A_259 = arith.constant 0 : i32
      %dma_wait3A_260 = arith.constant 0 : i32
      %dma_wait3A_261 = tpu.memref_slice %arg2[%dma_wait3A_259, %dma_wait3A_260] : memref<8000x128xf32, #tpu.memory_space<hbm>> -> memref<8000x128xf32, #tpu.memory_space<hbm>>
      tpu.wait_indirect_dma semaphore(%arg8 : memref<!tpu.dma_semaphore, #tpu.memory_space<semaphore_mem>>) src(%dma_wait3A_261 : memref<8000x128xf32, #tpu.memory_space<hbm>>) dst(%dma_wait3A_257 : memref<50x128xf32, #tpu.memory_space<vmem>>)
      %dma_wait3A_262 = arith.constant 0 : i32
      %dma_wait3A_263 = arith.constant 640 : i32
      %dma_wait3A_264 = tpu.memref_slice %arg6[%dma_wait3A_262, %dma_wait3A_263] : memref<50x1024xf32, #tpu.memory_space<vmem>> -> memref<50x128xf32, #tpu.memory_space<vmem>>
      %dma_wait3A_265 = tpu.memref_slice %arg5[%mul3A_215] : memref<14336xi32, #tpu.memory_space<vmem>> -> memref<50xi32, #tpu.memory_space<vmem>>
      %dma_wait3A_266 = arith.constant 0 : i32
      %dma_wait3A_267 = arith.constant 0 : i32
      %dma_wait3A_268 = tpu.memref_slice %arg2[%dma_wait3A_266, %dma_wait3A_267] : memref<8000x128xf32, #tpu.memory_space<hbm>> -> memref<8000x128xf32, #tpu.memory_space<hbm>>
      tpu.wait_indirect_dma semaphore(%arg8 : memref<!tpu.dma_semaphore, #tpu.memory_space<semaphore_mem>>) src(%dma_wait3A_268 : memref<8000x128xf32, #tpu.memory_space<hbm>>) dst(%dma_wait3A_264 : memref<50x128xf32, #tpu.memory_space<vmem>>)
      %dma_wait3A_269 = arith.constant 0 : i32
      %dma_wait3A_270 = arith.constant 768 : i32
      %dma_wait3A_271 = tpu.memref_slice %arg6[%dma_wait3A_269, %dma_wait3A_270] : memref<50x1024xf32, #tpu.memory_space<vmem>> -> memref<50x128xf32, #tpu.memory_space<vmem>>
      %dma_wait3A_272 = tpu.memref_slice %arg5[%mul3A_221] : memref<14336xi32, #tpu.memory_space<vmem>> -> memref<50xi32, #tpu.memory_space<vmem>>
      %dma_wait3A_273 = arith.constant 0 : i32
      %dma_wait3A_274 = arith.constant 0 : i32
      %dma_wait3A_275 = tpu.memref_slice %arg2[%dma_wait3A_273, %dma_wait3A_274] : memref<8000x128xf32, #tpu.memory_space<hbm>> -> memref<8000x128xf32, #tpu.memory_space<hbm>>
      tpu.wait_indirect_dma semaphore(%arg8 : memref<!tpu.dma_semaphore, #tpu.memory_space<semaphore_mem>>) src(%dma_wait3A_275 : memref<8000x128xf32, #tpu.memory_space<hbm>>) dst(%dma_wait3A_271 : memref<50x128xf32, #tpu.memory_space<vmem>>)
      %dma_wait3A_276 = arith.constant 0 : i32
      %dma_wait3A_277 = arith.constant 896 : i32
      %dma_wait3A_278 = tpu.memref_slice %arg6[%dma_wait3A_276, %dma_wait3A_277] : memref<50x1024xf32, #tpu.memory_space<vmem>> -> memref<50x128xf32, #tpu.memory_space<vmem>>
      %dma_wait3A_279 = tpu.memref_slice %arg5[%mul3A_227] : memref<14336xi32, #tpu.memory_space<vmem>> -> memref<50xi32, #tpu.memory_space<vmem>>
      %dma_wait3A_280 = arith.constant 0 : i32
      %dma_wait3A_281 = arith.constant 0 : i32
      %dma_wait3A_282 = tpu.memref_slice %arg2[%dma_wait3A_280, %dma_wait3A_281] : memref<8000x128xf32, #tpu.memory_space<hbm>> -> memref<8000x128xf32, #tpu.memory_space<hbm>>
      tpu.wait_indirect_dma semaphore(%arg8 : memref<!tpu.dma_semaphore, #tpu.memory_space<semaphore_mem>>) src(%dma_wait3A_282 : memref<8000x128xf32, #tpu.memory_space<hbm>>) dst(%dma_wait3A_278 : memref<50x128xf32, #tpu.memory_space<vmem>>)
      %mul3A_283 = arith.constant 32 : i32
      %mul3A_284 = arith.muli %add3A, %mul3A_283 : i32
      %add3A_285 = arith.addi %mul3A_284, %mul3A_73 : i32
      "tpu.region"() ({
        %run_scoped3A = tpu.sem_alloc : memref<!tpu.dma_semaphore, #tpu.memory_space<semaphore_mem>>
        %dma_start3A_399 = arith.constant 0 : i32
        %dma_start3A_400 = arith.constant 0 : i32
        %dma_start3A_401 = tpu.memref_slice %arg4[%add3A_285, %dma_start3A_399, %dma_start3A_400] : memref<1024x50x1024xf32, #tpu.memory_space<hbm>> -> memref<1x50x1024xf32, #tpu.memory_space<hbm>>
        %dma_start3A_402 = tpu.memref_squeeze %dma_start3A_401 : memref<1x50x1024xf32, #tpu.memory_space<hbm>> -> memref<50x1024xf32, #tpu.memory_space<hbm>>
        %dma_start3A_403 = arith.constant 0 : i32
        %dma_start3A_404 = arith.constant 0 : i32
        %dma_start3A_405 = tpu.memref_slice %arg4[%add3A_285, %dma_start3A_403, %dma_start3A_404] : memref<1024x50x1024xf32, #tpu.memory_space<hbm>> -> memref<1x50x1024xf32, #tpu.memory_space<hbm>>
        %dma_start3A_406 = tpu.memref_squeeze %dma_start3A_405 : memref<1x50x1024xf32, #tpu.memory_space<hbm>> -> memref<50x1024xf32, #tpu.memory_space<hbm>>
        tpu.enqueue_dma source(%arg6 : memref<50x1024xf32, #tpu.memory_space<vmem>>) target(%dma_start3A_406 : memref<50x1024xf32, #tpu.memory_space<hbm>>) target_semaphore(%run_scoped3A : memref<!tpu.dma_semaphore, #tpu.memory_space<semaphore_mem>>)
        %dma_wait3A_407 = arith.constant 0 : i32
        %dma_wait3A_408 = arith.constant 0 : i32
        %dma_wait3A_409 = tpu.memref_slice %arg4[%add3A_285, %dma_wait3A_407, %dma_wait3A_408] : memref<1024x50x1024xf32, #tpu.memory_space<hbm>> -> memref<1x50x1024xf32, #tpu.memory_space<hbm>>
        %dma_wait3A_410 = tpu.memref_squeeze %dma_wait3A_409 : memref<1x50x1024xf32, #tpu.memory_space<hbm>> -> memref<50x1024xf32, #tpu.memory_space<hbm>>
        %dma_wait3A_411 = arith.constant 0 : i32
        %dma_wait3A_412 = arith.constant 0 : i32
        %dma_wait3A_413 = tpu.memref_slice %arg4[%add3A_285, %dma_wait3A_411, %dma_wait3A_412] : memref<1024x50x1024xf32, #tpu.memory_space<hbm>> -> memref<1x50x1024xf32, #tpu.memory_space<hbm>>
        %dma_wait3A_414 = tpu.memref_squeeze %dma_wait3A_413 : memref<1x50x1024xf32, #tpu.memory_space<hbm>> -> memref<50x1024xf32, #tpu.memory_space<hbm>>
        tpu.wait_dma2 semaphore(%run_scoped3A : memref<!tpu.dma_semaphore, #tpu.memory_space<semaphore_mem>>) src(%arg6 : memref<50x1024xf32, #tpu.memory_space<vmem>>) dst(%dma_wait3A_414 : memref<50x1024xf32, #tpu.memory_space<hbm>>)
        tpu.yield
      }) : () -> ()
      %add3A_286 = arith.constant 2 : i32
      %add3A_287 = arith.addi %mul3A_73, %add3A_286 : i32
      %lt3A = arith.constant 32 : i32
      %lt3A_288 = arith.cmpi slt, %add3A_287, %lt3A : i32
      %convert_element_type3A = arith.extui %lt3A_288 : i1 to i32
      %cond3A = arith.constant 0 : i32
      %cond3A_289 = arith.cmpi ne, %convert_element_type3A, %cond3A : i32
      scf.if %cond3A_289 {
        %add3A_399 = arith.constant 2 : i32
        %add3A_400 = arith.addi %mul3A_73, %add3A_399 : i32
        %mul3A_401 = arith.constant 8 : i32
        %mul3A_402 = arith.muli %add3A_400, %mul3A_401 : i32
        %add3A_403 = arith.constant 0 : i32
        %add3A_404 = arith.addi %mul3A_402, %add3A_403 : i32
        %mul3A_405 = arith.constant 56 : i32
        %mul3A_406 = arith.muli %add3A_404, %mul3A_405 : i32
        %mul3A_407 = arith.constant 8 : i32
        %mul3A_408 = arith.muli %add3A_400, %mul3A_407 : i32
        %add3A_409 = arith.constant 1 : i32
        %add3A_410 = arith.addi %mul3A_408, %add3A_409 : i32
        %mul3A_411 = arith.constant 56 : i32
        %mul3A_412 = arith.muli %add3A_410, %mul3A_411 : i32
        %mul3A_413 = arith.constant 8 : i32
        %mul3A_414 = arith.muli %add3A_400, %mul3A_413 : i32
        %add3A_415 = arith.constant 2 : i32
        %add3A_416 = arith.addi %mul3A_414, %add3A_415 : i32
        %mul3A_417 = arith.constant 56 : i32
        %mul3A_418 = arith.muli %add3A_416, %mul3A_417 : i32
        %mul3A_419 = arith.constant 8 : i32
        %mul3A_420 = arith.muli %add3A_400, %mul3A_419 : i32
        %add3A_421 = arith.constant 3 : i32
        %add3A_422 = arith.addi %mul3A_420, %add3A_421 : i32
        %mul3A_423 = arith.constant 56 : i32
        %mul3A_424 = arith.muli %add3A_422, %mul3A_423 : i32
        %mul3A_425 = arith.constant 8 : i32
        %mul3A_426 = arith.muli %add3A_400, %mul3A_425 : i32
        %add3A_427 = arith.constant 4 : i32
        %add3A_428 = arith.addi %mul3A_426, %add3A_427 : i32
        %mul3A_429 = arith.constant 56 : i32
        %mul3A_430 = arith.muli %add3A_428, %mul3A_429 : i32
        %mul3A_431 = arith.constant 8 : i32
        %mul3A_432 = arith.muli %add3A_400, %mul3A_431 : i32
        %add3A_433 = arith.constant 5 : i32
        %add3A_434 = arith.addi %mul3A_432, %add3A_433 : i32
        %mul3A_435 = arith.constant 56 : i32
        %mul3A_436 = arith.muli %add3A_434, %mul3A_435 : i32
        %mul3A_437 = arith.constant 8 : i32
        %mul3A_438 = arith.muli %add3A_400, %mul3A_437 : i32
        %add3A_439 = arith.constant 6 : i32
        %add3A_440 = arith.addi %mul3A_438, %add3A_439 : i32
        %mul3A_441 = arith.constant 56 : i32
        %mul3A_442 = arith.muli %add3A_440, %mul3A_441 : i32
        %mul3A_443 = arith.constant 8 : i32
        %mul3A_444 = arith.muli %add3A_400, %mul3A_443 : i32
        %add3A_445 = arith.constant 7 : i32
        %add3A_446 = arith.addi %mul3A_444, %add3A_445 : i32
        %mul3A_447 = arith.constant 56 : i32
        %mul3A_448 = arith.muli %add3A_446, %mul3A_447 : i32
        %dma_start3A_449 = arith.constant 0 : i32
        %dma_start3A_450 = arith.constant 0 : i32
        %dma_start3A_451 = tpu.memref_slice %arg6[%dma_start3A_449, %dma_start3A_450] : memref<50x1024xf32, #tpu.memory_space<vmem>> -> memref<50x128xf32, #tpu.memory_space<vmem>>
        %dma_start3A_452 = tpu.memref_slice %arg5[%mul3A_406] : memref<14336xi32, #tpu.memory_space<vmem>> -> memref<50xi32, #tpu.memory_space<vmem>>
        %dma_start3A_453 = arith.constant 0 : i32
        %dma_start3A_454 = arith.constant 0 : i32
        %dma_start3A_455 = tpu.memref_slice %arg2[%dma_start3A_453, %dma_start3A_454] : memref<8000x128xf32, #tpu.memory_space<hbm>> -> memref<8000x128xf32, #tpu.memory_space<hbm>>
        tpu.enqueue_indirect_dma source(%dma_start3A_455 : memref<8000x128xf32, #tpu.memory_space<hbm>>) target(%dma_start3A_451 : memref<50x128xf32, #tpu.memory_space<vmem>>) offsets(%dma_start3A_452 : memref<50xi32, #tpu.memory_space<vmem>>) semaphore(%arg8 : memref<!tpu.dma_semaphore, #tpu.memory_space<semaphore_mem>>)
        %dma_start3A_456 = arith.constant 0 : i32
        %dma_start3A_457 = arith.constant 128 : i32
        %dma_start3A_458 = tpu.memref_slice %arg6[%dma_start3A_456, %dma_start3A_457] : memref<50x1024xf32, #tpu.memory_space<vmem>> -> memref<50x128xf32, #tpu.memory_space<vmem>>
        %dma_start3A_459 = tpu.memref_slice %arg5[%mul3A_412] : memref<14336xi32, #tpu.memory_space<vmem>> -> memref<50xi32, #tpu.memory_space<vmem>>
        %dma_start3A_460 = arith.constant 0 : i32
        %dma_start3A_461 = arith.constant 0 : i32
        %dma_start3A_462 = tpu.memref_slice %arg2[%dma_start3A_460, %dma_start3A_461] : memref<8000x128xf32, #tpu.memory_space<hbm>> -> memref<8000x128xf32, #tpu.memory_space<hbm>>
        tpu.enqueue_indirect_dma source(%dma_start3A_462 : memref<8000x128xf32, #tpu.memory_space<hbm>>) target(%dma_start3A_458 : memref<50x128xf32, #tpu.memory_space<vmem>>) offsets(%dma_start3A_459 : memref<50xi32, #tpu.memory_space<vmem>>) semaphore(%arg8 : memref<!tpu.dma_semaphore, #tpu.memory_space<semaphore_mem>>)
        %dma_start3A_463 = arith.constant 0 : i32
        %dma_start3A_464 = arith.constant 256 : i32
        %dma_start3A_465 = tpu.memref_slice %arg6[%dma_start3A_463, %dma_start3A_464] : memref<50x1024xf32, #tpu.memory_space<vmem>> -> memref<50x128xf32, #tpu.memory_space<vmem>>
        %dma_start3A_466 = tpu.memref_slice %arg5[%mul3A_418] : memref<14336xi32, #tpu.memory_space<vmem>> -> memref<50xi32, #tpu.memory_space<vmem>>
        %dma_start3A_467 = arith.constant 0 : i32
        %dma_start3A_468 = arith.constant 0 : i32
        %dma_start3A_469 = tpu.memref_slice %arg2[%dma_start3A_467, %dma_start3A_468] : memref<8000x128xf32, #tpu.memory_space<hbm>> -> memref<8000x128xf32, #tpu.memory_space<hbm>>
        tpu.enqueue_indirect_dma source(%dma_start3A_469 : memref<8000x128xf32, #tpu.memory_space<hbm>>) target(%dma_start3A_465 : memref<50x128xf32, #tpu.memory_space<vmem>>) offsets(%dma_start3A_466 : memref<50xi32, #tpu.memory_space<vmem>>) semaphore(%arg8 : memref<!tpu.dma_semaphore, #tpu.memory_space<semaphore_mem>>)
        %dma_start3A_470 = arith.constant 0 : i32
        %dma_start3A_471 = arith.constant 384 : i32
        %dma_start3A_472 = tpu.memref_slice %arg6[%dma_start3A_470, %dma_start3A_471] : memref<50x1024xf32, #tpu.memory_space<vmem>> -> memref<50x128xf32, #tpu.memory_space<vmem>>
        %dma_start3A_473 = tpu.memref_slice %arg5[%mul3A_424] : memref<14336xi32, #tpu.memory_space<vmem>> -> memref<50xi32, #tpu.memory_space<vmem>>
        %dma_start3A_474 = arith.constant 0 : i32
        %dma_start3A_475 = arith.constant 0 : i32
        %dma_start3A_476 = tpu.memref_slice %arg2[%dma_start3A_474, %dma_start3A_475] : memref<8000x128xf32, #tpu.memory_space<hbm>> -> memref<8000x128xf32, #tpu.memory_space<hbm>>
        tpu.enqueue_indirect_dma source(%dma_start3A_476 : memref<8000x128xf32, #tpu.memory_space<hbm>>) target(%dma_start3A_472 : memref<50x128xf32, #tpu.memory_space<vmem>>) offsets(%dma_start3A_473 : memref<50xi32, #tpu.memory_space<vmem>>) semaphore(%arg8 : memref<!tpu.dma_semaphore, #tpu.memory_space<semaphore_mem>>)
        %dma_start3A_477 = arith.constant 0 : i32
        %dma_start3A_478 = arith.constant 512 : i32
        %dma_start3A_479 = tpu.memref_slice %arg6[%dma_start3A_477, %dma_start3A_478] : memref<50x1024xf32, #tpu.memory_space<vmem>> -> memref<50x128xf32, #tpu.memory_space<vmem>>
        %dma_start3A_480 = tpu.memref_slice %arg5[%mul3A_430] : memref<14336xi32, #tpu.memory_space<vmem>> -> memref<50xi32, #tpu.memory_space<vmem>>
        %dma_start3A_481 = arith.constant 0 : i32
        %dma_start3A_482 = arith.constant 0 : i32
        %dma_start3A_483 = tpu.memref_slice %arg2[%dma_start3A_481, %dma_start3A_482] : memref<8000x128xf32, #tpu.memory_space<hbm>> -> memref<8000x128xf32, #tpu.memory_space<hbm>>
        tpu.enqueue_indirect_dma source(%dma_start3A_483 : memref<8000x128xf32, #tpu.memory_space<hbm>>) target(%dma_start3A_479 : memref<50x128xf32, #tpu.memory_space<vmem>>) offsets(%dma_start3A_480 : memref<50xi32, #tpu.memory_space<vmem>>) semaphore(%arg8 : memref<!tpu.dma_semaphore, #tpu.memory_space<semaphore_mem>>)
        %dma_start3A_484 = arith.constant 0 : i32
        %dma_start3A_485 = arith.constant 640 : i32
        %dma_start3A_486 = tpu.memref_slice %arg6[%dma_start3A_484, %dma_start3A_485] : memref<50x1024xf32, #tpu.memory_space<vmem>> -> memref<50x128xf32, #tpu.memory_space<vmem>>
        %dma_start3A_487 = tpu.memref_slice %arg5[%mul3A_436] : memref<14336xi32, #tpu.memory_space<vmem>> -> memref<50xi32, #tpu.memory_space<vmem>>
        %dma_start3A_488 = arith.constant 0 : i32
        %dma_start3A_489 = arith.constant 0 : i32
        %dma_start3A_490 = tpu.memref_slice %arg2[%dma_start3A_488, %dma_start3A_489] : memref<8000x128xf32, #tpu.memory_space<hbm>> -> memref<8000x128xf32, #tpu.memory_space<hbm>>
        tpu.enqueue_indirect_dma source(%dma_start3A_490 : memref<8000x128xf32, #tpu.memory_space<hbm>>) target(%dma_start3A_486 : memref<50x128xf32, #tpu.memory_space<vmem>>) offsets(%dma_start3A_487 : memref<50xi32, #tpu.memory_space<vmem>>) semaphore(%arg8 : memref<!tpu.dma_semaphore, #tpu.memory_space<semaphore_mem>>)
        %dma_start3A_491 = arith.constant 0 : i32
        %dma_start3A_492 = arith.constant 768 : i32
        %dma_start3A_493 = tpu.memref_slice %arg6[%dma_start3A_491, %dma_start3A_492] : memref<50x1024xf32, #tpu.memory_space<vmem>> -> memref<50x128xf32, #tpu.memory_space<vmem>>
        %dma_start3A_494 = tpu.memref_slice %arg5[%mul3A_442] : memref<14336xi32, #tpu.memory_space<vmem>> -> memref<50xi32, #tpu.memory_space<vmem>>
        %dma_start3A_495 = arith.constant 0 : i32
        %dma_start3A_496 = arith.constant 0 : i32
        %dma_start3A_497 = tpu.memref_slice %arg2[%dma_start3A_495, %dma_start3A_496] : memref<8000x128xf32, #tpu.memory_space<hbm>> -> memref<8000x128xf32, #tpu.memory_space<hbm>>
        tpu.enqueue_indirect_dma source(%dma_start3A_497 : memref<8000x128xf32, #tpu.memory_space<hbm>>) target(%dma_start3A_493 : memref<50x128xf32, #tpu.memory_space<vmem>>) offsets(%dma_start3A_494 : memref<50xi32, #tpu.memory_space<vmem>>) semaphore(%arg8 : memref<!tpu.dma_semaphore, #tpu.memory_space<semaphore_mem>>)
        %dma_start3A_498 = arith.constant 0 : i32
        %dma_start3A_499 = arith.constant 896 : i32
        %dma_start3A_500 = tpu.memref_slice %arg6[%dma_start3A_498, %dma_start3A_499] : memref<50x1024xf32, #tpu.memory_space<vmem>> -> memref<50x128xf32, #tpu.memory_space<vmem>>
        %dma_start3A_501 = tpu.memref_slice %arg5[%mul3A_448] : memref<14336xi32, #tpu.memory_space<vmem>> -> memref<50xi32, #tpu.memory_space<vmem>>
        %dma_start3A_502 = arith.constant 0 : i32
        %dma_start3A_503 = arith.constant 0 : i32
        %dma_start3A_504 = tpu.memref_slice %arg2[%dma_start3A_502, %dma_start3A_503] : memref<8000x128xf32, #tpu.memory_space<hbm>> -> memref<8000x128xf32, #tpu.memory_space<hbm>>
        tpu.enqueue_indirect_dma source(%dma_start3A_504 : memref<8000x128xf32, #tpu.memory_space<hbm>>) target(%dma_start3A_500 : memref<50x128xf32, #tpu.memory_space<vmem>>) offsets(%dma_start3A_501 : memref<50xi32, #tpu.memory_space<vmem>>) semaphore(%arg8 : memref<!tpu.dma_semaphore, #tpu.memory_space<semaphore_mem>>)
      } else {
      }
      %add3A_290 = arith.constant 1 : i32
      %add3A_291 = arith.addi %mul3A_73, %add3A_290 : i32
      %mul3A_292 = arith.constant 8 : i32
      %mul3A_293 = arith.muli %add3A_291, %mul3A_292 : i32
      %add3A_294 = arith.constant 0 : i32
      %add3A_295 = arith.addi %mul3A_293, %add3A_294 : i32
      %mul3A_296 = arith.constant 56 : i32
      %mul3A_297 = arith.muli %add3A_295, %mul3A_296 : i32
      %mul3A_298 = arith.constant 8 : i32
      %mul3A_299 = arith.muli %add3A_291, %mul3A_298 : i32
      %add3A_300 = arith.constant 1 : i32
      %add3A_301 = arith.addi %mul3A_299, %add3A_300 : i32
      %mul3A_302 = arith.constant 56 : i32
      %mul3A_303 = arith.muli %add3A_301, %mul3A_302 : i32
      %mul3A_304 = arith.constant 8 : i32
      %mul3A_305 = arith.muli %add3A_291, %mul3A_304 : i32
      %add3A_306 = arith.constant 2 : i32
      %add3A_307 = arith.addi %mul3A_305, %add3A_306 : i32
      %mul3A_308 = arith.constant 56 : i32
      %mul3A_309 = arith.muli %add3A_307, %mul3A_308 : i32
      %mul3A_310 = arith.constant 8 : i32
      %mul3A_311 = arith.muli %add3A_291, %mul3A_310 : i32
      %add3A_312 = arith.constant 3 : i32
      %add3A_313 = arith.addi %mul3A_311, %add3A_312 : i32
      %mul3A_314 = arith.constant 56 : i32
      %mul3A_315 = arith.muli %add3A_313, %mul3A_314 : i32
      %mul3A_316 = arith.constant 8 : i32
      %mul3A_317 = arith.muli %add3A_291, %mul3A_316 : i32
      %add3A_318 = arith.constant 4 : i32
      %add3A_319 = arith.addi %mul3A_317, %add3A_318 : i32
      %mul3A_320 = arith.constant 56 : i32
      %mul3A_321 = arith.muli %add3A_319, %mul3A_320 : i32
      %mul3A_322 = arith.constant 8 : i32
      %mul3A_323 = arith.muli %add3A_291, %mul3A_322 : i32
      %add3A_324 = arith.constant 5 : i32
      %add3A_325 = arith.addi %mul3A_323, %add3A_324 : i32
      %mul3A_326 = arith.constant 56 : i32
      %mul3A_327 = arith.muli %add3A_325, %mul3A_326 : i32
      %mul3A_328 = arith.constant 8 : i32
      %mul3A_329 = arith.muli %add3A_291, %mul3A_328 : i32
      %add3A_330 = arith.constant 6 : i32
      %add3A_331 = arith.addi %mul3A_329, %add3A_330 : i32
      %mul3A_332 = arith.constant 56 : i32
      %mul3A_333 = arith.muli %add3A_331, %mul3A_332 : i32
      %mul3A_334 = arith.constant 8 : i32
      %mul3A_335 = arith.muli %add3A_291, %mul3A_334 : i32
      %add3A_336 = arith.constant 7 : i32
      %add3A_337 = arith.addi %mul3A_335, %add3A_336 : i32
      %mul3A_338 = arith.constant 56 : i32
      %mul3A_339 = arith.muli %add3A_337, %mul3A_338 : i32
      %dma_wait3A_340 = arith.constant 0 : i32
      %dma_wait3A_341 = arith.constant 0 : i32
      %dma_wait3A_342 = tpu.memref_slice %arg7[%dma_wait3A_340, %dma_wait3A_341] : memref<50x1024xf32, #tpu.memory_space<vmem>> -> memref<50x128xf32, #tpu.memory_space<vmem>>
      %dma_wait3A_343 = tpu.memref_slice %arg5[%mul3A_297] : memref<14336xi32, #tpu.memory_space<vmem>> -> memref<50xi32, #tpu.memory_space<vmem>>
      %dma_wait3A_344 = arith.constant 0 : i32
      %dma_wait3A_345 = arith.constant 0 : i32
      %dma_wait3A_346 = tpu.memref_slice %arg2[%dma_wait3A_344, %dma_wait3A_345] : memref<8000x128xf32, #tpu.memory_space<hbm>> -> memref<8000x128xf32, #tpu.memory_space<hbm>>
      tpu.wait_indirect_dma semaphore(%arg9 : memref<!tpu.dma_semaphore, #tpu.memory_space<semaphore_mem>>) src(%dma_wait3A_346 : memref<8000x128xf32, #tpu.memory_space<hbm>>) dst(%dma_wait3A_342 : memref<50x128xf32, #tpu.memory_space<vmem>>)
      %dma_wait3A_347 = arith.constant 0 : i32
      %dma_wait3A_348 = arith.constant 128 : i32
      %dma_wait3A_349 = tpu.memref_slice %arg7[%dma_wait3A_347, %dma_wait3A_348] : memref<50x1024xf32, #tpu.memory_space<vmem>> -> memref<50x128xf32, #tpu.memory_space<vmem>>
      %dma_wait3A_350 = tpu.memref_slice %arg5[%mul3A_303] : memref<14336xi32, #tpu.memory_space<vmem>> -> memref<50xi32, #tpu.memory_space<vmem>>
      %dma_wait3A_351 = arith.constant 0 : i32
      %dma_wait3A_352 = arith.constant 0 : i32
      %dma_wait3A_353 = tpu.memref_slice %arg2[%dma_wait3A_351, %dma_wait3A_352] : memref<8000x128xf32, #tpu.memory_space<hbm>> -> memref<8000x128xf32, #tpu.memory_space<hbm>>
      tpu.wait_indirect_dma semaphore(%arg9 : memref<!tpu.dma_semaphore, #tpu.memory_space<semaphore_mem>>) src(%dma_wait3A_353 : memref<8000x128xf32, #tpu.memory_space<hbm>>) dst(%dma_wait3A_349 : memref<50x128xf32, #tpu.memory_space<vmem>>)
      %dma_wait3A_354 = arith.constant 0 : i32
      %dma_wait3A_355 = arith.constant 256 : i32
      %dma_wait3A_356 = tpu.memref_slice %arg7[%dma_wait3A_354, %dma_wait3A_355] : memref<50x1024xf32, #tpu.memory_space<vmem>> -> memref<50x128xf32, #tpu.memory_space<vmem>>
      %dma_wait3A_357 = tpu.memref_slice %arg5[%mul3A_309] : memref<14336xi32, #tpu.memory_space<vmem>> -> memref<50xi32, #tpu.memory_space<vmem>>
      %dma_wait3A_358 = arith.constant 0 : i32
      %dma_wait3A_359 = arith.constant 0 : i32
      %dma_wait3A_360 = tpu.memref_slice %arg2[%dma_wait3A_358, %dma_wait3A_359] : memref<8000x128xf32, #tpu.memory_space<hbm>> -> memref<8000x128xf32, #tpu.memory_space<hbm>>
      tpu.wait_indirect_dma semaphore(%arg9 : memref<!tpu.dma_semaphore, #tpu.memory_space<semaphore_mem>>) src(%dma_wait3A_360 : memref<8000x128xf32, #tpu.memory_space<hbm>>) dst(%dma_wait3A_356 : memref<50x128xf32, #tpu.memory_space<vmem>>)
      %dma_wait3A_361 = arith.constant 0 : i32
      %dma_wait3A_362 = arith.constant 384 : i32
      %dma_wait3A_363 = tpu.memref_slice %arg7[%dma_wait3A_361, %dma_wait3A_362] : memref<50x1024xf32, #tpu.memory_space<vmem>> -> memref<50x128xf32, #tpu.memory_space<vmem>>
      %dma_wait3A_364 = tpu.memref_slice %arg5[%mul3A_315] : memref<14336xi32, #tpu.memory_space<vmem>> -> memref<50xi32, #tpu.memory_space<vmem>>
      %dma_wait3A_365 = arith.constant 0 : i32
      %dma_wait3A_366 = arith.constant 0 : i32
      %dma_wait3A_367 = tpu.memref_slice %arg2[%dma_wait3A_365, %dma_wait3A_366] : memref<8000x128xf32, #tpu.memory_space<hbm>> -> memref<8000x128xf32, #tpu.memory_space<hbm>>
      tpu.wait_indirect_dma semaphore(%arg9 : memref<!tpu.dma_semaphore, #tpu.memory_space<semaphore_mem>>) src(%dma_wait3A_367 : memref<8000x128xf32, #tpu.memory_space<hbm>>) dst(%dma_wait3A_363 : memref<50x128xf32, #tpu.memory_space<vmem>>)
      %dma_wait3A_368 = arith.constant 0 : i32
      %dma_wait3A_369 = arith.constant 512 : i32
      %dma_wait3A_370 = tpu.memref_slice %arg7[%dma_wait3A_368, %dma_wait3A_369] : memref<50x1024xf32, #tpu.memory_space<vmem>> -> memref<50x128xf32, #tpu.memory_space<vmem>>
      %dma_wait3A_371 = tpu.memref_slice %arg5[%mul3A_321] : memref<14336xi32, #tpu.memory_space<vmem>> -> memref<50xi32, #tpu.memory_space<vmem>>
      %dma_wait3A_372 = arith.constant 0 : i32
      %dma_wait3A_373 = arith.constant 0 : i32
      %dma_wait3A_374 = tpu.memref_slice %arg2[%dma_wait3A_372, %dma_wait3A_373] : memref<8000x128xf32, #tpu.memory_space<hbm>> -> memref<8000x128xf32, #tpu.memory_space<hbm>>
      tpu.wait_indirect_dma semaphore(%arg9 : memref<!tpu.dma_semaphore, #tpu.memory_space<semaphore_mem>>) src(%dma_wait3A_374 : memref<8000x128xf32, #tpu.memory_space<hbm>>) dst(%dma_wait3A_370 : memref<50x128xf32, #tpu.memory_space<vmem>>)
      %dma_wait3A_375 = arith.constant 0 : i32
      %dma_wait3A_376 = arith.constant 640 : i32
      %dma_wait3A_377 = tpu.memref_slice %arg7[%dma_wait3A_375, %dma_wait3A_376] : memref<50x1024xf32, #tpu.memory_space<vmem>> -> memref<50x128xf32, #tpu.memory_space<vmem>>
      %dma_wait3A_378 = tpu.memref_slice %arg5[%mul3A_327] : memref<14336xi32, #tpu.memory_space<vmem>> -> memref<50xi32, #tpu.memory_space<vmem>>
      %dma_wait3A_379 = arith.constant 0 : i32
      %dma_wait3A_380 = arith.constant 0 : i32
      %dma_wait3A_381 = tpu.memref_slice %arg2[%dma_wait3A_379, %dma_wait3A_380] : memref<8000x128xf32, #tpu.memory_space<hbm>> -> memref<8000x128xf32, #tpu.memory_space<hbm>>
      tpu.wait_indirect_dma semaphore(%arg9 : memref<!tpu.dma_semaphore, #tpu.memory_space<semaphore_mem>>) src(%dma_wait3A_381 : memref<8000x128xf32, #tpu.memory_space<hbm>>) dst(%dma_wait3A_377 : memref<50x128xf32, #tpu.memory_space<vmem>>)
      %dma_wait3A_382 = arith.constant 0 : i32
      %dma_wait3A_383 = arith.constant 768 : i32
      %dma_wait3A_384 = tpu.memref_slice %arg7[%dma_wait3A_382, %dma_wait3A_383] : memref<50x1024xf32, #tpu.memory_space<vmem>> -> memref<50x128xf32, #tpu.memory_space<vmem>>
      %dma_wait3A_385 = tpu.memref_slice %arg5[%mul3A_333] : memref<14336xi32, #tpu.memory_space<vmem>> -> memref<50xi32, #tpu.memory_space<vmem>>
      %dma_wait3A_386 = arith.constant 0 : i32
      %dma_wait3A_387 = arith.constant 0 : i32
      %dma_wait3A_388 = tpu.memref_slice %arg2[%dma_wait3A_386, %dma_wait3A_387] : memref<8000x128xf32, #tpu.memory_space<hbm>> -> memref<8000x128xf32, #tpu.memory_space<hbm>>
      tpu.wait_indirect_dma semaphore(%arg9 : memref<!tpu.dma_semaphore, #tpu.memory_space<semaphore_mem>>) src(%dma_wait3A_388 : memref<8000x128xf32, #tpu.memory_space<hbm>>) dst(%dma_wait3A_384 : memref<50x128xf32, #tpu.memory_space<vmem>>)
      %dma_wait3A_389 = arith.constant 0 : i32
      %dma_wait3A_390 = arith.constant 896 : i32
      %dma_wait3A_391 = tpu.memref_slice %arg7[%dma_wait3A_389, %dma_wait3A_390] : memref<50x1024xf32, #tpu.memory_space<vmem>> -> memref<50x128xf32, #tpu.memory_space<vmem>>
      %dma_wait3A_392 = tpu.memref_slice %arg5[%mul3A_339] : memref<14336xi32, #tpu.memory_space<vmem>> -> memref<50xi32, #tpu.memory_space<vmem>>
      %dma_wait3A_393 = arith.constant 0 : i32
      %dma_wait3A_394 = arith.constant 0 : i32
      %dma_wait3A_395 = tpu.memref_slice %arg2[%dma_wait3A_393, %dma_wait3A_394] : memref<8000x128xf32, #tpu.memory_space<hbm>> -> memref<8000x128xf32, #tpu.memory_space<hbm>>
      tpu.wait_indirect_dma semaphore(%arg9 : memref<!tpu.dma_semaphore, #tpu.memory_space<semaphore_mem>>) src(%dma_wait3A_395 : memref<8000x128xf32, #tpu.memory_space<hbm>>) dst(%dma_wait3A_391 : memref<50x128xf32, #tpu.memory_space<vmem>>)
      %mul3A_396 = arith.constant 32 : i32
      %mul3A_397 = arith.muli %add3A, %mul3A_396 : i32
      %add3A_398 = arith.addi %mul3A_397, %add3A_291 : i32
      "tpu.region"() ({
        %run_scoped3A = tpu.sem_alloc : memref<!tpu.dma_semaphore, #tpu.memory_space<semaphore_mem>>
        %dma_start3A_399 = arith.constant 0 : i32
        %dma_start3A_400 = arith.constant 0 : i32
        %dma_start3A_401 = tpu.memref_slice %arg4[%add3A_398, %dma_start3A_399, %dma_start3A_400] : memref<1024x50x1024xf32, #tpu.memory_space<hbm>> -> memref<1x50x1024xf32, #tpu.memory_space<hbm>>
        %dma_start3A_402 = tpu.memref_squeeze %dma_start3A_401 : memref<1x50x1024xf32, #tpu.memory_space<hbm>> -> memref<50x1024xf32, #tpu.memory_space<hbm>>
        %dma_start3A_403 = arith.constant 0 : i32
        %dma_start3A_404 = arith.constant 0 : i32
        %dma_start3A_405 = tpu.memref_slice %arg4[%add3A_398, %dma_start3A_403, %dma_start3A_404] : memref<1024x50x1024xf32, #tpu.memory_space<hbm>> -> memref<1x50x1024xf32, #tpu.memory_space<hbm>>
        %dma_start3A_406 = tpu.memref_squeeze %dma_start3A_405 : memref<1x50x1024xf32, #tpu.memory_space<hbm>> -> memref<50x1024xf32, #tpu.memory_space<hbm>>
        tpu.enqueue_dma source(%arg7 : memref<50x1024xf32, #tpu.memory_space<vmem>>) target(%dma_start3A_406 : memref<50x1024xf32, #tpu.memory_space<hbm>>) target_semaphore(%run_scoped3A : memref<!tpu.dma_semaphore, #tpu.memory_space<semaphore_mem>>)
        %dma_wait3A_407 = arith.constant 0 : i32
        %dma_wait3A_408 = arith.constant 0 : i32
        %dma_wait3A_409 = tpu.memref_slice %arg4[%add3A_398, %dma_wait3A_407, %dma_wait3A_408] : memref<1024x50x1024xf32, #tpu.memory_space<hbm>> -> memref<1x50x1024xf32, #tpu.memory_space<hbm>>
        %dma_wait3A_410 = tpu.memref_squeeze %dma_wait3A_409 : memref<1x50x1024xf32, #tpu.memory_space<hbm>> -> memref<50x1024xf32, #tpu.memory_space<hbm>>
        %dma_wait3A_411 = arith.constant 0 : i32
        %dma_wait3A_412 = arith.constant 0 : i32
        %dma_wait3A_413 = tpu.memref_slice %arg4[%add3A_398, %dma_wait3A_411, %dma_wait3A_412] : memref<1024x50x1024xf32, #tpu.memory_space<hbm>> -> memref<1x50x1024xf32, #tpu.memory_space<hbm>>
        %dma_wait3A_414 = tpu.memref_squeeze %dma_wait3A_413 : memref<1x50x1024xf32, #tpu.memory_space<hbm>> -> memref<50x1024xf32, #tpu.memory_space<hbm>>
        tpu.wait_dma2 semaphore(%run_scoped3A : memref<!tpu.dma_semaphore, #tpu.memory_space<semaphore_mem>>) src(%arg7 : memref<50x1024xf32, #tpu.memory_space<vmem>>) dst(%dma_wait3A_414 : memref<50x1024xf32, #tpu.memory_space<hbm>>)
        tpu.yield
      }) : () -> ()
    }
    %scan3A_70 = arith.constant 16 : i32
    return
  }
}

module attributes {stable_mosaic.version = 14 : i64} {
  func.func @_mm_body(%arg0: memref<1000x64xf32, #tpu.memory_space<vmem>>, %arg1: memref<1024x64xf32, #tpu.memory_space<vmem>>, %arg2: memref<1000x1024xf32, #tpu.memory_space<vmem>>) attributes {dimension_semantics = [], scalar_prefetch = 0 : i64, scratch_operands = 0 : i64, tpu.core_type = #tpu.core_type<tc>} {
    %get3A = arith.constant 0 : index
    %get3A_0 = arith.constant 0 : index
    %get3A_1 = vector.load %arg0[%get3A, %get3A_0] : memref<1000x64xf32, #tpu.memory_space<vmem>>, vector<1000x64xf32>
    %get3A_2 = arith.constant 0 : index
    %get3A_3 = arith.constant 0 : index
    %get3A_4 = vector.load %arg1[%get3A_2, %get3A_3] : memref<1024x64xf32, #tpu.memory_space<vmem>>, vector<1024x64xf32>
    %dot_general3A = arith.constant dense<0.000000e+00> : vector<1000x1024xf32>
    %dot_general3A_5 = tpu.matmul %get3A_1, %get3A_4, %dot_general3A {dimension_numbers = #tpu.dot_dimension_numbers<[1], [1], [0], [0], [0, 0, 1, 0], [], []>, transpose_lhs_hint = false} : vector<1000x64xf32>, vector<1024x64xf32>, vector<1000x1024xf32> -> vector<1000x1024xf32>
    %swap3A = arith.constant 0 : index
    %swap3A_6 = arith.constant 0 : index
    %swap3A_7 = vector.load %arg2[%swap3A, %swap3A_6] : memref<1000x1024xf32, #tpu.memory_space<vmem>>, vector<1000x1024xf32>
    tpu.vector_store %arg2[%swap3A, %swap3A_6], %dot_general3A_5 {strides = array<i32>} : memref<1000x1024xf32, #tpu.memory_space<vmem>>, vector<1000x1024xf32>,
    return
  }
}

</mosaic_0001>

<sc_bundles>
// kernel: kernel.4.cloned.1.call-start
scs
__scs_entry_jumppad:
0x0: {  	(pc) =	sbr.rel $0x88, $3  }
0x1: {  	(tag) =	ssettag $0x0;
	lr =	simm.s32 $0x1  }
0x2: {  	[smem:$0x3F9E] =	sst lr;
	_ =	strace $0xD0000000  }
0x3: {  	_ = 	snop  }
0x4: {  	_ = 	snop  }
0x5: {  	_ = 	snop  }
0x6: {  	_ = 	snop  }
0x7: {  	_ = 	snop  }
__scs_overlays_trampoline_lowered:
0x8: {  	[smem:$0x3FAD] =	sst s0  }
0x9: {  	[smem:$0x3FAE] =	sst s1  }
0xa: {  	[smem:$0x3FAF] =	sst s2  }
0xb: {  	[smem:$0x3FB0] =	sst s3  }
0xc: {  	[smem:$0x3FB1] =	sst s4  }
0xd: {  	[smem:$0x3FB2] =	sst s5  }
0xe: {  	[smem:$0x3FB3] =	sst s6  }
0xf: {  	[smem:$0x3FB4] =	sst s7  }
0x10: {  	[smem:$0x3FB5] =	sst s8  }
0x11: {  	[smem:$0x3FB6] =	sst s9;
	s0 =	simm.s32 @!p0 $0x0  }
0x12: {  	s1 =	sld [smem:$0x3F9C];
	s0 =	simm.s32 @p0 $0x1  }
0x13: {  	[smem:$0x3FB7] =	sst s0;
	s0 =	simm.s32 @!p1 $0x0  }
0x14: {  	s2 =	sld [smem:$0x3F9B];
	s0 =	simm.s32 @p1 $0x1  }
0x15: {  	[smem:$0x3FB8] =	sst s0;
	s0 =	simm.s32 @!p2 $0x0  }
0x16: {  	s3 =	sld [smem:$0x3FDB];
	s0 =	simm.s32 @p2 $0x1  }
0x17: {  	s4 =	simm.s32 $0x1BF5;
	[smem:$0x3FBA] =	sst s0  }
0x18: {  	s0 =	sld [smem:$0x3F9D];
	_ =	swait.ge [sflag:s4], $0x0  }
0x19: {  	s7 =	sld [smem:$0x3F9E]  }
0x1a: {  	s8 =	sadd.s32 $0xFFFFE003, lr  }
0x1b: {  	s9 =	sadd.s32 $0xFFFFFEF7, lr;
	s5 =	simm.s32 $0xFFFFFFFF;
	p2 =	slt.u32 s8, $0xFFFFF086  }
0x1c: {  	p1 =	slt.u32 s9, $0xF7A;
	s5 =	simm.s32 @!p2 $0x0  }
0x1d: {  	s5 =	simm.s32 @p1 $0x1;
	p0 =	seq.s32 s7, s2  }
0x1e: {  	s7 =	smul.u32 @!p0 $0xF7A, s2;
	p2 =	seq.s32 @!p0 s5, $0x0  }
0x1f: {  	s9 =	smul.u32 $0xF7A, s1;
	s8 =	simm.s32 @!p0 $0x1BF5;
	p2 =	por !p2, p0  }
0x20: {  	[sflag:s8] =	ssyncset.s32 @!p0 $0xFFFFF086;
	s6 =	sadd.s32 @!p0 s3, s7;
	s7 =	simm.s32 @!p0 $0x108  }
0x21: {  	s3 =	sadd.s32 s3, s9;
	s6 =	sadd.s32 @!p0 $0x88, s6;
	s7 =	simm.s32 @p2 $0x1082  }
0x22: {  	[simem:s7], [sflag:s8] =	dma.local @!p0 [hbm:s6], $0xF7A  }
0x23: {  	s9 =	sor.u32 $0xD0000000, s2;
	s6 =	simm.s32 $0x108;
	_ =	swait.ge @!p0 [sflag:s8], $0x0  }
0x24: {  	s3 =	sadd.s32 $0x88, s3;
	s6 =	simm.s32 @!p1 $0x1082;
	[sflag:s4] =	ssyncset.s32 $0xFFFFF086  }
0x25: {  	[simem:s6], [sflag:s4] =	dma.local [hbm:s3], $0xF7A  }
0x26: {  	[smem:$0x3F9E] =	sst s1;
	(tag) =	ssettag s2;
	_ =	strace s9  }
0x27: {  	s1 =	sld [smem:$0x3FAE]  }
0x28: {  	s2 =	sld [smem:$0x3FAF]  }
0x29: {  	s4 =	sld [smem:$0x3FB1]  }
0x2a: {  	p0 =	seq.s32 s5, $0x0;
	s5 =	sld [smem:$0x3FB2]  }
0x2b: {  	s6 =	sld [smem:$0x3FB3]  }
0x2c: {  	s7 =	sld [smem:$0x3FB4]  }
0x2d: {  	s3 =	simm.s32 $0x108;
	s8 =	sld [smem:$0x3FB5]  }
0x2e: {  	s3 =	simm.s32 @!p0 $0x1082;
	s9 =	sld [smem:$0x3FB6]  }
0x2f: {  	lr =	sadd.s32 s0, s3;
	s0 =	sld [smem:$0x3FAD]  }
0x30: {  	s3 =	sld [smem:$0x3FB0]  }
0x31: {  	[smem:$0x3FB9] =	sst s10  }
0x32: {  	s10 =	sld [smem:$0x3FB7];
	_ =	sdelay $0x3  }
0x33: {  	p0 =	seq.s32 s10, $0x1;
	s10 =	sld [smem:$0x3FB9];
	_ =	sdelay $0x3  }
0x34: {  	[smem:$0x3FB9] =	sst s10  }
0x35: {  	s10 =	sld [smem:$0x3FB8];
	_ =	sdelay $0x3  }
0x36: {  	p1 =	seq.s32 s10, $0x1;
	s10 =	sld [smem:$0x3FB9];
	_ =	sdelay $0x3  }
0x37: {  	[smem:$0x3FB9] =	sst s10  }
0x38: {  	s10 =	sld [smem:$0x3FBA]  }
0x39: {  	_ = 	snop;
	(pc) =	sbr.ind lr, $3  }
0x3a: {  	_ = 	snop  }
0x3b: {  	_ = 	snop  }
0x3c: {  	p2 =	seq.s32 s10, $0x1;
	s10 =	sld [smem:$0x3FB9]  }
0x3d: {  	_ =	shalt  }
0x3e: {  	_ =	shalt  }
0x3f: {  	_ =	shalt  }
0x40: {  	_ =	shalt  }
0x41: {  	_ =	shalt  }
0x42: {  	_ =	shalt  }
0x43: {  	_ =	shalt  }
0x44: {  	_ =	shalt  }
0x45: {  	_ =	shalt  }
0x46: {  	_ =	shalt  }
0x47: {  	_ =	shalt  }
0x48: {  	_ =	shalt  }
0x49: {  	_ =	shalt  }
0x4a: {  	_ =	shalt  }
0x4b: {  	_ =	shalt  }
0x4c: {  	_ =	shalt  }
0x4d: {  	_ =	shalt  }
0x4e: {  	_ =	shalt  }
0x4f: {  	_ =	shalt  }
0x50: {  	_ =	shalt  }
0x51: {  	_ =	shalt  }
0x52: {  	_ =	shalt  }
0x53: {  	_ =	shalt  }
0x54: {  	_ =	shalt  }
0x55: {  	_ =	shalt  }
0x56: {  	_ =	shalt  }
0x57: {  	_ =	shalt  }
0x58: {  	_ =	shalt  }
0x59: {  	_ =	shalt  }
0x5a: {  	_ =	shalt  }
0x5b: {  	_ =	shalt  }
0x5c: {  	_ =	shalt  }
0x5d: {  	_ =	shalt  }
0x5e: {  	_ =	shalt  }
0x5f: {  	_ =	shalt  }
0x60: {  	_ =	shalt  }
0x61: {  	_ =	shalt  }
0x62: {  	_ =	shalt  }
0x63: {  	_ =	shalt  }
0x64: {  	_ =	shalt  }
0x65: {  	_ =	shalt  }
0x66: {  	_ =	shalt  }
0x67: {  	_ =	shalt  }
0x68: {  	_ =	shalt  }
0x69: {  	_ =	shalt  }
0x6a: {  	_ =	shalt  }
0x6b: {  	_ =	shalt  }
0x6c: {  	_ =	shalt  }
0x6d: {  	_ =	shalt  }
0x6e: {  	_ =	shalt  }
0x6f: {  	_ =	shalt  }
0x70: {  	_ =	shalt  }
0x71: {  	_ =	shalt  }
0x72: {  	_ =	shalt  }
0x73: {  	_ =	shalt  }
0x74: {  	_ =	shalt  }
0x75: {  	_ =	shalt  }
0x76: {  	_ =	shalt  }
0x77: {  	_ =	shalt  }
0x78: {  	_ =	shalt  }
0x79: {  	_ =	shalt  }
0x7a: {  	_ =	shalt  }
0x7b: {  	_ =	shalt  }
0x7c: {  	_ =	shalt  }
0x7d: {  	_ =	shalt  }
0x7e: {  	_ =	shalt  }
0x7f: {  	_ =	shalt  }
0x80: {  	_ =	shalt  }
0x81: {  	_ =	shalt  }
0x82: {  	_ =	shalt  }
0x83: {  	_ =	shalt  }
0x84: {  	_ =	shalt  }
0x85: {  	_ =	shalt  }
0x86: {  	_ =	shalt  }
0x87: {  	_ =	shalt  }
.Lfunc_end0:
.L_simem_size_0:
called_computation.1_lowered:
.L_overlay_start_0:
0x88: {  	s2 =	sld [smem:$0x3FD9]  }
0x89: {  	s3 =	sld [smem:$0x3FFE];
	_ =	sdelay $0x1  }
0x8a: {  	s1 =	srdreg.scid  }
0x8b: {  	s0 =	sand.u32 $0x1, s1  }
0x8c: {  	s17 =	sshll.u32 s0, $0xA;
	s2 =	sadd.s32 s3, s2  }
0x8d: {  	s2 =	sadd.s32 s2, s17  }
0x8e: {  	[smem:$0x3FC5] =	sst s2  }
0x8f: {  	_ = 	snop  }
0x90: {  	s2 =	sld [smem:$0x3FD0];
	(tm) =	ssettm $0x1  }
0x91: {  	s18 =	sld [smem:$0x3FFB];
	_ =	sdelay $0x3  }
0x92: {  	_ =	strace s18  }
0x93: {  	s3 =	sld [smem:$0x3FFC];
	_ =	sdelay $0x3  }
0x94: {  	_ =	strace s3  }
0x95: {  	s3 =	sld [smem:$0x3FFD];
	_ =	sdelay $0x3  }
0x96: {  	_ =	strace s3  }
0x97: {  	_ =	strace $0x8FFFFFFF  }
0x98: {  	s19 =	sld [smem:$0x3FDB];
	_ =	sdelay $0x1  }
0x99: {  	s4 =	simm.s32 $_scs_section_size  }
0x9a: {  	s5 =	simm.s32 $_size__tile_overlayer_lowered;
	s6 =	simm.s32 $_tile_overlayer_lowered  }
0x9b: {  	s22 =	simm.s32 $0x1BFF;
	s21 =	sshll.u32 s6, $0x1;
	s3 =	sadd.s32 s4, s19  }
0x9c: {  	s7 =	simm.s32 $0x0;
	s20 =	sshll.u32 s5, $0x1;
	s5 =	sadd.s32 s21, s3  }
0x9d: {  	[timem:s7], [sflag:s22] =	dma.local [hbm:s5], s20  }
0x9e: {  	_ =	swait.ge [sflag:s22], s20  }
0x9f: {  	s4 =	ssub.s32 $0x0, s20;
	[sflag:s22] =	ssyncset.done $0x0  }
0xa0: {  	[sflag:s22] =	ssyncadd.s32 s4;
	_ =	sdelay $0x1  }
0xa1: {  	s23 =	simm.s32 $0x1B8B  }
0xa2: {  	_ =	swait.ge [sflag:s23], $0x1  }
0xa3: {  	[sflag:s23] =	ssyncset.done $0x0  }
0xa4: {  	s25 =	simm.s32 $0x1B8E;
	s24 =	sld [smem:$0x3FFE];
	[sflag:s23] =	ssyncadd.s32 $0xFFFFFFFF  }
0xa5: {  	s26 =	simm.s32 $execute0_lowered;
	[smem:$0x3FD2] =	sst s25  }
0xa6: {  	s5 =	sshll.u32 s26, $0x1;
	_ =	strace $0x80000046;
	[dreg:$0x1] =	wrdreg $0xFFFFFFFF  }
0xa7: {  	s28 =	simm.s32 $_size_execute0_lowered;
	s3 =	sadd.s32 s3, s5;
	[dreg:$0x0] =	wrdreg $0x0  }
0xa8: {  	s5 =	sshll.u32 s28, $0x1;
	[dreg:$0x2] =	wrdreg s3  }
0xa9: {  	[dreg:$0x3] =	wrdreg s5  }
0xaa: {  	[dreg:$0x4] =	wrdreg $0xC0  }
0xab: {  	_ =	task [dreg:s7], $0x5FFFF  }
0xac: {  	[dreg:$0x1] =	wrdreg $0xFFFFFFFF  }
0xad: {  	[dreg:$0x0] =	wrdreg $0x60  }
0xae: {  	[dreg:$0x2] =	wrdreg s2  }
0xaf: {  	[dreg:$0x3] =	wrdreg s24  }
0xb0: {  	[dreg:$0x4] =	wrdreg $0x9  }
0xb1: {  	_ =	task.clear_ibuf [dreg:s7], $0x5FFFF;
	_ =	strace $0x90000046  }
0xb2: {  	s29 =	simm.s32 $0x9;
	_ =	strace $0x80000048  }
0xb3: {  	_ =	swait.ge [sflag:s29], $0x1  }
0xb4: {  	[sflag:s29] =	ssyncadd.s32 $0xFFFFFFFF  }
0xb5: {  	_ =	strace $0x90000048  }
0xb6: {  	_ =	sfence  }
0xb7: {  	s30 =	sld [smem:$0x0];
	_ =	sdelay $0x2  }
0xb8: {  	s31 =	sshll.u32 s1, $0xD;
	s1 =	sshrl.u32 s1, $0x2  }
0xb9: {  	s3 =	sand.u32 $0x4000, s31;
	s1 =	sadd.s32 s1, s30  }
0xba: {  	s0 =	sor.u32 s3, s0;
	s1 =	sshll.u32 s1, $0x11  }
0xbb: {  	s0 =	sor.u32 s1, s0  }
0xbc: {  	s0 =	sadd.s32 $0x8F2B, s0  }
0xbd: {  	[sflag:s0] =	ssyncadd.remote.s32 $0x1  }
0xbe: {  	_ =	sfence.sel $0xFFFF  }
0xbf: {  	[dreg:$0x0] =	wrdreg $0xFFFFFFFF;
	(pc) =	sbr.abs _section_cstart, $3  }
0xc0: {  	[dreg:$0x1] =	wrdreg $0xFFFFFFFF  }
0xc1: {  	_ =	task.clear_ibuf [dreg:s7], $0x2FFFF;
	_ =	strace $0x9FFFFFFF  }
0xc2: {  	(tm) =	ssettm $0x7FFFFFFF  }
0xc3: {  	_ =	shalt  }
tec
execute0_lowered:
.L_overlay_start_1:
0x0: {  	(tag) =	ssettag $0x1  }
0x1: {  	s0 =	srdreg.scid  }
0x2: {  	s5 =	stileid.u32;
	s2 =	rddreg [dreg:$0x0]  }
0x3: {  	s4 =	rddreg [dreg:$0x1];
	s3 =	simm.s32 $0x0;
	s8 =	simm.s32 $0x3800  }
0x4: {  	s12 =	simm.s32 $0x11800;
	s23 =	simm.s32 $0x13800;
	s24 =	simm.s32 $0x16C00  }
0x5: {  	s28 =	simm.s32 $0x1CC00;
	s29 =	simm.s32 $0x1EC00;
	s30 =	simm.s32 $0x13000  }
0x6: {  	s31 =	simm.s32 $0x15000;
	s9 =	simm.s32 $0x1F000;
	s10 =	simm.s32 $0x13400  }
0x7: {  	s11 =	simm.s32 $0x15400;
	s13 =	simm.s32 $0x17400;
	s14 =	simm.s32 $0x19400  }
0x8: {  	s15 =	simm.s32 $0x1B400;
	s16 =	simm.s32 $0x1D400;
	s17 =	simm.s32 $0x1F400  }
0x9: {  	s18 =	simm.s32 $0x1;
	s19 =	simm.s32 $0x2;
	s21 =	simm.s32 $0x0  }
0xa: {  	s0 =	sand.u32 $0x1, s0;
	s1 =	sshll.u32 s5, $0x1;
	[smem:$0x7FF] =	sst s3  }
0xb: {  	s5 =	smul.u32 $0x70000, s5;
	s1 =	sor.u32 s0, s1;
	s6 =	ssub.s32 $0x2, s0  }
0xc: {  	_ =	strace $0x80000047;
	s1 =	smul.u32 $0x700, s1;
	s7 =	sshrl.u32 s6, $0x1  }
0xd: {  	s0 =	smul.u32 $0x38000, s0;
	s25 =	ssub.s32 s6, s7;
	s7 =	simm.s32 $0x3  }
.Ltmp0:
0xe: {  	s1 =	sadd.s32 s1, s4;
	s4 =	sadd.s32 s5, s4;
	(pc) =	sbr.rel .LBB2_1-.Ltmp0, $4  }
0xf: {  	s26 =	smax.u32 s25, $0x1;
	s25 =	simm.s32 $0x18C00;
	s5 =	simm.s32 $0x1D000  }
0x10: {  	v2 =	vlaneseq.u32;
	s1 =	sadd.s32 $0x800, s1;
	[dreg:$0x4] =	wrdreg s26;
	s0 =	sadd.s32 s0, s4  }
0x11: {  	vm0 =	vmmov $0xff;
	vm1 =	vmmov $0x3;
	v1 =	vshrl.u32 v2, $0x3;
	s26 =	simm.s32 $0x1AC00;
	s4 =	simm.s32 $0x1B000;
	[dreg:$0x3] =	wrdreg s1  }
0x12: {  	v0 =	vand.u32 $0x7, v2;
	v2 =	vor.u32 $0x8, v2;
	v1 =	vmul.u32 $0x8, v1;
	s6 =	sadd.s32 $0xE800, s0;
	s1 =	simm.s32 $0x17000;
	s0 =	simm.s32 $0x19000  }
.LBB2_5:
0x13: {  	s21 =	rddreg [dreg:$0x5]  }
0x14: {  	s20 =	rddreg [dreg:$0x4];
	s21 =	sadd.s32 $0x1, s21  }
0x15: {  	p0 =	sne.s32 s21, s20  }
.Ltmp1:
0x16: {  	_ = 	snop;
	(pc) =	sbr.rel @!p0 .LBB2_6-.Ltmp1, $1  }
0x17: {  	_ =	sdelay $0x3  }
.LBB2_1:
0x18: {  	[dreg:$0x5] =	wrdreg s21  }
0x19: {  	s20 =	rddreg [dreg:$0x3]  }
0x1a: {  	[tilespmem:s3], [sflag:$0x3] =	stream.linear.gather [hbm4b:s20+s3], $0x3800, $0x38;
	[tilespmem:$0x1F800] =	vst v63  }
0x1b: {  	_ =	swait.ge [sflag:s7], $0x3800  }
0x1c: {  	[sflag:s7] =	ssyncset.done $0x0  }
0x1d: {  	[sflag:s7] =	ssyncadd.s32 $0xFFFFC800  }
0x1e: {  	v3 =	vld [tilespmem:$0x0];
	_ =	sdelay $0x4  }
0x1f: {  	v4 =	vperm.xlane v3, v0;
	_ =	sdelay $0x1  }
0x20: {  	v3 =	vperm.xlane v3, v2;
	v4 =	vadd.s32 v1, v4;
	_ =	sdelay $0x1  }
0x21: {  	v3 =	vadd.s32 v1, v3;
	_ =	sdelay $0x2  }
0x22: {  	[tilespmem:s8], [sflag:$0x1] =	stream.indirect_vreg.gather [hbm4b:s2+s3], $0x80, v4, vm0, $0xb8;
	[tilespmem:$0x1F800] =	vst v63  }
0x23: {  	s22 =	simm.s32 $0x5800  }
0x24: {  	[tilespmem:s22], [sflag:$0x1] =	stream.indirect_vreg.gather [hbm4b:s2+s3], $0x80, v3, vm0, $0xb8;
	[tilespmem:$0x1F800] =	vst v63  }
0x25: {  	v3 =	vld [tilespmem:$0x10];
	_ =	sdelay $0x4  }
0x26: {  	v41 =	vperm.xlane v3, v0;
	_ =	sdelay $0x1  }
0x27: {  	v3 =	vperm.xlane v3, v2;
	v4 =	vadd.s32 v1, v41;
	_ =	sdelay $0x1  }
0x28: {  	v3 =	vadd.s32 v1, v3;
	_ =	sdelay $0x1  }
0x29: {  	s21 =	simm.s32 $0x7800  }
0x2a: {  	[tilespmem:s21], [sflag:$0x1] =	stream.indirect_vreg.gather [hbm4b:s2+s3], $0x80, v4, vm0, $0xb8;
	[tilespmem:$0x1F800] =	vst v63  }
0x2b: {  	s22 =	simm.s32 $0x9800  }
0x2c: {  	[tilespmem:s22], [sflag:$0x1] =	stream.indirect_vreg.gather [hbm4b:s2+s3], $0x80, v3, vm0, $0xb8;
	[tilespmem:$0x1F800] =	vst v63  }
0x2d: {  	v3 =	vld [tilespmem:$0x20];
	_ =	sdelay $0x4  }
0x2e: {  	v42 =	vperm.xlane v3, v0;
	_ =	sdelay $0x1  }
0x2f: {  	v3 =	vperm.xlane v3, v2;
	v4 =	vadd.s32 v1, v42;
	_ =	sdelay $0x1  }
0x30: {  	v3 =	vadd.s32 v1, v3;
	_ =	sdelay $0x1  }
0x31: {  	s21 =	simm.s32 $0xB800  }
0x32: {  	[tilespmem:s21], [sflag:$0x1] =	stream.indirect_vreg.gather [hbm4b:s2+s3], $0x80, v4, vm0, $0xb8;
	[tilespmem:$0x1F800] =	vst v63  }
0x33: {  	s22 =	simm.s32 $0xD800  }
0x34: {  	[tilespmem:s22], [sflag:$0x1] =	stream.indirect_vreg.gather [hbm4b:s2+s3], $0x80, v3, vm0, $0xb8;
	[tilespmem:$0x1F800] =	vst v63  }
0x35: {  	v3 =	vld.msk [tilespmem:$0x30], $0x3;
	_ =	sdelay $0x4  }
0x36: {  	v3 =	vperm.xlane v3, v0;
	_ =	sdelay $0x1  }
0x37: {  	v3 =	vadd.s32 v1, v3;
	_ =	sdelay $0x3  }
0x38: {  	s21 =	simm.s32 $0xF800  }
0x39: {  	[tilespmem:s21], [sflag:$0x1] =	stream.indirect_vreg.gather [hbm4b:s2+s3], $0x80, v3, vm1, $0xb8;
	[tilespmem:$0x1F800] =	vst v63  }
0x3a: {  	v3 =	vld [tilespmem:$0x38];
	_ =	sdelay $0x4  }
0x3b: {  	v43 =	vperm.xlane v3, v0;
	_ =	sdelay $0x1  }
0x3c: {  	v3 =	vperm.xlane v3, v2;
	v4 =	vadd.s32 v1, v43;
	_ =	sdelay $0x1  }
0x3d: {  	v3 =	vadd.s32 v1, v3;
	_ =	sdelay $0x1  }
0x3e: {  	s22 =	simm.s32 $0x3C00  }
0x3f: {  	[tilespmem:s22], [sflag:$0x1] =	stream.indirect_vreg.gather [hbm4b:s2+s3], $0x80, v4, vm0, $0xb8;
	[tilespmem:$0x1F800] =	vst v63  }
0x40: {  	s21 =	simm.s32 $0x5C00  }
0x41: {  	[tilespmem:s21], [sflag:$0x1] =	stream.indirect_vreg.gather [hbm4b:s2+s3], $0x80, v3, vm0, $0xb8;
	[tilespmem:$0x1F800] =	vst v63  }
0x42: {  	v3 =	vld [tilespmem:$0x48];
	_ =	sdelay $0x4  }
0x43: {  	v44 =	vperm.xlane v3, v0;
	_ =	sdelay $0x1  }
0x44: {  	v3 =	vperm.xlane v3, v2;
	v4 =	vadd.s32 v1, v44;
	_ =	sdelay $0x1  }
0x45: {  	v3 =	vadd.s32 v1, v3;
	_ =	sdelay $0x1  }
0x46: {  	s22 =	simm.s32 $0x7C00  }
0x47: {  	[tilespmem:s22], [sflag:$0x1] =	stream.indirect_vreg.gather [hbm4b:s2+s3], $0x80, v4, vm0, $0xb8;
	[tilespmem:$0x1F800] =	vst v63  }
0x48: {  	s21 =	simm.s32 $0x9C00  }
0x49: {  	[tilespmem:s21], [sflag:$0x1] =	stream.indirect_vreg.gather [hbm4b:s2+s3], $0x80, v3, vm0, $0xb8;
	[tilespmem:$0x1F800] =	vst v63  }
0x4a: {  	v3 =	vld [tilespmem:$0x58];
	_ =	sdelay $0x4  }
0x4b: {  	v45 =	vperm.xlane v3, v0;
	_ =	sdelay $0x1  }
0x4c: {  	v3 =	vperm.xlane v3, v2;
	v4 =	vadd.s32 v1, v45;
	_ =	sdelay $0x1  }
0x4d: {  	v3 =	vadd.s32 v1, v3;
	_ =	sdelay $0x1  }
0x4e: {  	s22 =	simm.s32 $0xBC00  }
0x4f: {  	[tilespmem:s22], [sflag:$0x1] =	stream.indirect_vreg.gather [hbm4b:s2+s3], $0x80, v4, vm0, $0xb8;
	[tilespmem:$0x1F800] =	vst v63  }
0x50: {  	s21 =	simm.s32 $0xDC00  }
0x51: {  	[tilespmem:s21], [sflag:$0x1] =	stream.indirect_vreg.gather [hbm4b:s2+s3], $0x80, v3, vm0, $0xb8;
	[tilespmem:$0x1F800] =	vst v63  }
0x52: {  	v3 =	vld.msk [tilespmem:$0x68], $0x3;
	_ =	sdelay $0x4  }
0x53: {  	v3 =	vperm.xlane v3, v0;
	_ =	sdelay $0x1  }
0x54: {  	v3 =	vadd.s32 v1, v3;
	_ =	sdelay $0x3  }
0x55: {  	s22 =	simm.s32 $0xFC00  }
0x56: {  	[tilespmem:s22], [sflag:$0x1] =	stream.indirect_vreg.gather [hbm4b:s2+s3], $0x80, v3, vm1, $0xb8;
	[tilespmem:$0x1F800] =	vst v63  }
0x57: {  	v3 =	vld [tilespmem:$0x70];
	_ =	sdelay $0x4  }
0x58: {  	v46 =	vperm.xlane v3, v0;
	_ =	sdelay $0x1  }
0x59: {  	v3 =	vperm.xlane v3, v2;
	v4 =	vadd.s32 v1, v46;
	_ =	sdelay $0x1  }
0x5a: {  	v3 =	vadd.s32 v1, v3;
	_ =	sdelay $0x1  }
0x5b: {  	s21 =	simm.s32 $0x4000  }
0x5c: {  	[tilespmem:s21], [sflag:$0x1] =	stream.indirect_vreg.gather [hbm4b:s2+s3], $0x80, v4, vm0, $0xb8;
	[tilespmem:$0x1F800] =	vst v63  }
0x5d: {  	s22 =	simm.s32 $0x6000  }
0x5e: {  	[tilespmem:s22], [sflag:$0x1] =	stream.indirect_vreg.gather [hbm4b:s2+s3], $0x80, v3, vm0, $0xb8;
	[tilespmem:$0x1F800] =	vst v63  }
0x5f: {  	v3 =	vld [tilespmem:$0x80];
	_ =	sdelay $0x4  }
0x60: {  	v47 =	vperm.xlane v3, v0;
	_ =	sdelay $0x1  }
0x61: {  	v3 =	vperm.xlane v3, v2;
	v4 =	vadd.s32 v1, v47;
	_ =	sdelay $0x1  }
0x62: {  	v3 =	vadd.s32 v1, v3;
	_ =	sdelay $0x1  }
0x63: {  	s21 =	simm.s32 $0x8000  }
0x64: {  	[tilespmem:s21], [sflag:$0x1] =	stream.indirect_vreg.gather [hbm4b:s2+s3], $0x80, v4, vm0, $0xb8;
	[tilespmem:$0x1F800] =	vst v63  }
0x65: {  	s22 =	simm.s32 $0xA000  }
0x66: {  	[tilespmem:s22], [sflag:$0x1] =	stream.indirect_vreg.gather [hbm4b:s2+s3], $0x80, v3, vm0, $0xb8;
	[tilespmem:$0x1F800] =	vst v63  }
0x67: {  	v3 =	vld [tilespmem:$0x90];
	_ =	sdelay $0x4  }
0x68: {  	v48 =	vperm.xlane v3, v0;
	_ =	sdelay $0x1  }
0x69: {  	v3 =	vperm.xlane v3, v2;
	v4 =	vadd.s32 v1, v48;
	_ =	sdelay $0x1  }
0x6a: {  	v3 =	vadd.s32 v1, v3;
	_ =	sdelay $0x1  }
0x6b: {  	s21 =	simm.s32 $0xC000  }
0x6c: {  	[tilespmem:s21], [sflag:$0x1] =	stream.indirect_vreg.gather [hbm4b:s2+s3], $0x80, v4, vm0, $0xb8;
	[tilespmem:$0x1F800] =	vst v63  }
0x6d: {  	s22 =	simm.s32 $0xE000  }
0x6e: {  	[tilespmem:s22], [sflag:$0x1] =	stream.indirect_vreg.gather [hbm4b:s2+s3], $0x80, v3, vm0, $0xb8;
	[tilespmem:$0x1F800] =	vst v63  }
0x6f: {  	v3 =	vld.msk [tilespmem:$0xA0], $0x3;
	_ =	sdelay $0x4  }
0x70: {  	v3 =	vperm.xlane v3, v0;
	_ =	sdelay $0x1  }
0x71: {  	v3 =	vadd.s32 v1, v3;
	_ =	sdelay $0x3  }
0x72: {  	s21 =	simm.s32 $0x10000  }
0x73: {  	[tilespmem:s21], [sflag:$0x1] =	stream.indirect_vreg.gather [hbm4b:s2+s3], $0x80, v3, vm1, $0xb8;
	[tilespmem:$0x1F800] =	vst v63  }
0x74: {  	v3 =	vld [tilespmem:$0xA8];
	_ =	sdelay $0x4  }
0x75: {  	v49 =	vperm.xlane v3, v0;
	_ =	sdelay $0x1  }
0x76: {  	v3 =	vperm.xlane v3, v2;
	v4 =	vadd.s32 v1, v49;
	_ =	sdelay $0x1  }
0x77: {  	v3 =	vadd.s32 v1, v3;
	_ =	sdelay $0x1  }
0x78: {  	s22 =	simm.s32 $0x4400  }
0x79: {  	[tilespmem:s22], [sflag:$0x1] =	stream.indirect_vreg.gather [hbm4b:s2+s3], $0x80, v4, vm0, $0xb8;
	[tilespmem:$0x1F800] =	vst v63  }
0x7a: {  	s21 =	simm.s32 $0x6400  }
0x7b: {  	[tilespmem:s21], [sflag:$0x1] =	stream.indirect_vreg.gather [hbm4b:s2+s3], $0x80, v3, vm0, $0xb8;
	[tilespmem:$0x1F800] =	vst v63  }
0x7c: {  	v3 =	vld [tilespmem:$0xB8];
	_ =	sdelay $0x4  }
0x7d: {  	v50 =	vperm.xlane v3, v0;
	_ =	sdelay $0x1  }
0x7e: {  	v3 =	vperm.xlane v3, v2;
	v4 =	vadd.s32 v1, v50;
	_ =	sdelay $0x1  }
0x7f: {  	v3 =	vadd.s32 v1, v3;
	_ =	sdelay $0x1  }
0x80: {  	s22 =	simm.s32 $0x8400  }
0x81: {  	[tilespmem:s22], [sflag:$0x1] =	stream.indirect_vreg.gather [hbm4b:s2+s3], $0x80, v4, vm0, $0xb8;
	[tilespmem:$0x1F800] =	vst v63  }
0x82: {  	s21 =	simm.s32 $0xA400  }
0x83: {  	[tilespmem:s21], [sflag:$0x1] =	stream.indirect_vreg.gather [hbm4b:s2+s3], $0x80, v3, vm0, $0xb8;
	[tilespmem:$0x1F800] =	vst v63  }
0x84: {  	v3 =	vld [tilespmem:$0xC8];
	_ =	sdelay $0x4  }
0x85: {  	v51 =	vperm.xlane v3, v0;
	_ =	sdelay $0x1  }
0x86: {  	v3 =	vperm.xlane v3, v2;
	v4 =	vadd.s32 v1, v51;
	_ =	sdelay $0x1  }
0x87: {  	v3 =	vadd.s32 v1, v3;
	_ =	sdelay $0x1  }
0x88: {  	s22 =	simm.s32 $0xC400  }
0x89: {  	[tilespmem:s22], [sflag:$0x1] =	stream.indirect_vreg.gather [hbm4b:s2+s3], $0x80, v4, vm0, $0xb8;
	[tilespmem:$0x1F800] =	vst v63  }
0x8a: {  	s21 =	simm.s32 $0xE400  }
0x8b: {  	[tilespmem:s21], [sflag:$0x1] =	stream.indirect_vreg.gather [hbm4b:s2+s3], $0x80, v3, vm0, $0xb8;
	[tilespmem:$0x1F800] =	vst v63  }
0x8c: {  	v3 =	vld.msk [tilespmem:$0xD8], $0x3;
	_ =	sdelay $0x4  }
0x8d: {  	v3 =	vperm.xlane v3, v0;
	_ =	sdelay $0x1  }
0x8e: {  	v3 =	vadd.s32 v1, v3;
	_ =	sdelay $0x3  }
0x8f: {  	s22 =	simm.s32 $0x10400  }
0x90: {  	[tilespmem:s22], [sflag:$0x1] =	stream.indirect_vreg.gather [hbm4b:s2+s3], $0x80, v3, vm1, $0xb8;
	[tilespmem:$0x1F800] =	vst v63  }
0x91: {  	v3 =	vld [tilespmem:$0xE0];
	_ =	sdelay $0x4  }
0x92: {  	v52 =	vperm.xlane v3, v0;
	_ =	sdelay $0x1  }
0x93: {  	v3 =	vperm.xlane v3, v2;
	v4 =	vadd.s32 v1, v52;
	_ =	sdelay $0x1  }
0x94: {  	v3 =	vadd.s32 v1, v3;
	_ =	sdelay $0x1  }
0x95: {  	s21 =	simm.s32 $0x4800  }
0x96: {  	[tilespmem:s21], [sflag:$0x1] =	stream.indirect_vreg.gather [hbm4b:s2+s3], $0x80, v4, vm0, $0xb8;
	[tilespmem:$0x1F800] =	vst v63  }
0x97: {  	s22 =	simm.s32 $0x6800  }
0x98: {  	[tilespmem:s22], [sflag:$0x1] =	stream.indirect_vreg.gather [hbm4b:s2+s3], $0x80, v3, vm0, $0xb8;
	[tilespmem:$0x1F800] =	vst v63  }
0x99: {  	v3 =	vld [tilespmem:$0xF0];
	_ =	sdelay $0x4  }
0x9a: {  	v53 =	vperm.xlane v3, v0;
	_ =	sdelay $0x1  }
0x9b: {  	v3 =	vperm.xlane v3, v2;
	v4 =	vadd.s32 v1, v53;
	_ =	sdelay $0x1  }
0x9c: {  	v3 =	vadd.s32 v1, v3;
	_ =	sdelay $0x1  }
0x9d: {  	s21 =	simm.s32 $0x8800  }
0x9e: {  	[tilespmem:s21], [sflag:$0x1] =	stream.indirect_vreg.gather [hbm4b:s2+s3], $0x80, v4, vm0, $0xb8;
	[tilespmem:$0x1F800] =	vst v63  }
0x9f: {  	s22 =	simm.s32 $0xA800  }
0xa0: {  	[tilespmem:s22], [sflag:$0x1] =	stream.indirect_vreg.gather [hbm4b:s2+s3], $0x80, v3, vm0, $0xb8;
	[tilespmem:$0x1F800] =	vst v63  }
0xa1: {  	v3 =	vld [tilespmem:$0x100];
	_ =	sdelay $0x4  }
0xa2: {  	v54 =	vperm.xlane v3, v0;
	_ =	sdelay $0x1  }
0xa3: {  	v3 =	vperm.xlane v3, v2;
	v4 =	vadd.s32 v1, v54;
	_ =	sdelay $0x1  }
0xa4: {  	v3 =	vadd.s32 v1, v3;
	_ =	sdelay $0x1  }
0xa5: {  	s21 =	simm.s32 $0xC800  }
0xa6: {  	[tilespmem:s21], [sflag:$0x1] =	stream.indirect_vreg.gather [hbm4b:s2+s3], $0x80, v4, vm0, $0xb8;
	[tilespmem:$0x1F800] =	vst v63  }
0xa7: {  	s22 =	simm.s32 $0xE800  }
0xa8: {  	[tilespmem:s22], [sflag:$0x1] =	stream.indirect_vreg.gather [hbm4b:s2+s3], $0x80, v3, vm0, $0xb8;
	[tilespmem:$0x1F800] =	vst v63  }
0xa9: {  	v3 =	vld.msk [tilespmem:$0x110], $0x3;
	_ =	sdelay $0x4  }
0xaa: {  	v3 =	vperm.xlane v3, v0;
	_ =	sdelay $0x1  }
0xab: {  	v3 =	vadd.s32 v1, v3;
	_ =	sdelay $0x3  }
0xac: {  	s21 =	simm.s32 $0x10800  }
0xad: {  	[tilespmem:s21], [sflag:$0x1] =	stream.indirect_vreg.gather [hbm4b:s2+s3], $0x80, v3, vm1, $0xb8;
	[tilespmem:$0x1F800] =	vst v63  }
0xae: {  	v3 =	vld [tilespmem:$0x118];
	_ =	sdelay $0x4  }
0xaf: {  	v55 =	vperm.xlane v3, v0;
	_ =	sdelay $0x1  }
0xb0: {  	v3 =	vperm.xlane v3, v2;
	v4 =	vadd.s32 v1, v55;
	_ =	sdelay $0x1  }
0xb1: {  	v3 =	vadd.s32 v1, v3;
	_ =	sdelay $0x1  }
0xb2: {  	s22 =	simm.s32 $0x4C00  }
0xb3: {  	[tilespmem:s22], [sflag:$0x1] =	stream.indirect_vreg.gather [hbm4b:s2+s3], $0x80, v4, vm0, $0xb8;
	[tilespmem:$0x1F800] =	vst v63  }
0xb4: {  	s21 =	simm.s32 $0x6C00  }
0xb5: {  	[tilespmem:s21], [sflag:$0x1] =	stream.indirect_vreg.gather [hbm4b:s2+s3], $0x80, v3, vm0, $0xb8;
	[tilespmem:$0x1F800] =	vst v63  }
0xb6: {  	v3 =	vld [tilespmem:$0x128];
	_ =	sdelay $0x4  }
0xb7: {  	v56 =	vperm.xlane v3, v0;
	_ =	sdelay $0x1  }
0xb8: {  	v3 =	vperm.xlane v3, v2;
	v4 =	vadd.s32 v1, v56;
	_ =	sdelay $0x1  }
0xb9: {  	v3 =	vadd.s32 v1, v3;
	_ =	sdelay $0x1  }
0xba: {  	s22 =	simm.s32 $0x8C00  }
0xbb: {  	[tilespmem:s22], [sflag:$0x1] =	stream.indirect_vreg.gather [hbm4b:s2+s3], $0x80, v4, vm0, $0xb8;
	[tilespmem:$0x1F800] =	vst v63  }
0xbc: {  	s21 =	simm.s32 $0xAC00  }
0xbd: {  	[tilespmem:s21], [sflag:$0x1] =	stream.indirect_vreg.gather [hbm4b:s2+s3], $0x80, v3, vm0, $0xb8;
	[tilespmem:$0x1F800] =	vst v63  }
0xbe: {  	v3 =	vld [tilespmem:$0x138];
	_ =	sdelay $0x4  }
0xbf: {  	v57 =	vperm.xlane v3, v0;
	_ =	sdelay $0x1  }
0xc0: {  	v3 =	vperm.xlane v3, v2;
	v4 =	vadd.s32 v1, v57;
	_ =	sdelay $0x1  }
0xc1: {  	v3 =	vadd.s32 v1, v3;
	_ =	sdelay $0x1  }
0xc2: {  	s22 =	simm.s32 $0xCC00  }
0xc3: {  	[tilespmem:s22], [sflag:$0x1] =	stream.indirect_vreg.gather [hbm4b:s2+s3], $0x80, v4, vm0, $0xb8;
	[tilespmem:$0x1F800] =	vst v63  }
0xc4: {  	s21 =	simm.s32 $0xEC00  }
0xc5: {  	[tilespmem:s21], [sflag:$0x1] =	stream.indirect_vreg.gather [hbm4b:s2+s3], $0x80, v3, vm0, $0xb8;
	[tilespmem:$0x1F800] =	vst v63  }
0xc6: {  	v3 =	vld.msk [tilespmem:$0x148], $0x3;
	_ =	sdelay $0x4  }
0xc7: {  	v3 =	vperm.xlane v3, v0;
	_ =	sdelay $0x1  }
0xc8: {  	v3 =	vadd.s32 v1, v3;
	_ =	sdelay $0x3  }
0xc9: {  	s22 =	simm.s32 $0x10C00  }
0xca: {  	[tilespmem:s22], [sflag:$0x1] =	stream.indirect_vreg.gather [hbm4b:s2+s3], $0x80, v3, vm1, $0xb8;
	[tilespmem:$0x1F800] =	vst v63  }
0xcb: {  	v3 =	vld [tilespmem:$0x150];
	_ =	sdelay $0x4  }
0xcc: {  	v58 =	vperm.xlane v3, v0;
	_ =	sdelay $0x1  }
0xcd: {  	v3 =	vperm.xlane v3, v2;
	v4 =	vadd.s32 v1, v58;
	_ =	sdelay $0x1  }
0xce: {  	v3 =	vadd.s32 v1, v3;
	_ =	sdelay $0x1  }
0xcf: {  	s21 =	simm.s32 $0x5000  }
0xd0: {  	[tilespmem:s21], [sflag:$0x1] =	stream.indirect_vreg.gather [hbm4b:s2+s3], $0x80, v4, vm0, $0xb8;
	[tilespmem:$0x1F800] =	vst v63  }
0xd1: {  	s22 =	simm.s32 $0x7000  }
0xd2: {  	[tilespmem:s22], [sflag:$0x1] =	stream.indirect_vreg.gather [hbm4b:s2+s3], $0x80, v3, vm0, $0xb8;
	[tilespmem:$0x1F800] =	vst v63  }
0xd3: {  	v3 =	vld [tilespmem:$0x160];
	_ =	sdelay $0x4  }
0xd4: {  	v59 =	vperm.xlane v3, v0;
	_ =	sdelay $0x1  }
0xd5: {  	v3 =	vperm.xlane v3, v2;
	v4 =	vadd.s32 v1, v59;
	_ =	sdelay $0x1  }
0xd6: {  	v3 =	vadd.s32 v1, v3;
	_ =	sdelay $0x1  }
0xd7: {  	s21 =	simm.s32 $0x9000  }
0xd8: {  	[tilespmem:s21], [sflag:$0x1] =	stream.indirect_vreg.gather [hbm4b:s2+s3], $0x80, v4, vm0, $0xb8;
	[tilespmem:$0x1F800] =	vst v63  }
0xd9: {  	s22 =	simm.s32 $0xB000  }
0xda: {  	[tilespmem:s22], [sflag:$0x1] =	stream.indirect_vreg.gather [hbm4b:s2+s3], $0x80, v3, vm0, $0xb8;
	[tilespmem:$0x1F800] =	vst v63  }
0xdb: {  	v3 =	vld [tilespmem:$0x170];
	_ =	sdelay $0x4  }
0xdc: {  	v60 =	vperm.xlane v3, v0;
	_ =	sdelay $0x1  }
0xdd: {  	v3 =	vperm.xlane v3, v2;
	v4 =	vadd.s32 v1, v60;
	_ =	sdelay $0x1  }
0xde: {  	v3 =	vadd.s32 v1, v3;
	_ =	sdelay $0x1  }
0xdf: {  	s21 =	simm.s32 $0xD000  }
0xe0: {  	[tilespmem:s21], [sflag:$0x1] =	stream.indirect_vreg.gather [hbm4b:s2+s3], $0x80, v4, vm0, $0xb8;
	[tilespmem:$0x1F800] =	vst v63  }
0xe1: {  	s22 =	simm.s32 $0xF000  }
0xe2: {  	[tilespmem:s22], [sflag:$0x1] =	stream.indirect_vreg.gather [hbm4b:s2+s3], $0x80, v3, vm0, $0xb8;
	[tilespmem:$0x1F800] =	vst v63  }
0xe3: {  	v3 =	vld.msk [tilespmem:$0x180], $0x3;
	_ =	sdelay $0x4  }
0xe4: {  	v3 =	vperm.xlane v3, v0;
	_ =	sdelay $0x1  }
0xe5: {  	v3 =	vadd.s32 v1, v3;
	_ =	sdelay $0x3  }
0xe6: {  	s21 =	simm.s32 $0x11000  }
0xe7: {  	[tilespmem:s21], [sflag:$0x1] =	stream.indirect_vreg.gather [hbm4b:s2+s3], $0x80, v3, vm1, $0xb8;
	[tilespmem:$0x1F800] =	vst v63  }
0xe8: {  	v3 =	vld [tilespmem:$0x188];
	_ =	sdelay $0x4  }
0xe9: {  	v61 =	vperm.xlane v3, v0;
	_ =	sdelay $0x1  }
0xea: {  	v3 =	vperm.xlane v3, v2;
	v4 =	vadd.s32 v1, v61;
	_ =	sdelay $0x1  }
0xeb: {  	v3 =	vadd.s32 v1, v3;
	_ =	sdelay $0x1  }
0xec: {  	s22 =	simm.s32 $0x5400  }
0xed: {  	[tilespmem:s22], [sflag:$0x1] =	stream.indirect_vreg.gather [hbm4b:s2+s3], $0x80, v4, vm0, $0xb8;
	[tilespmem:$0x1F800] =	vst v63  }
0xee: {  	s21 =	simm.s32 $0x7400  }
0xef: {  	[tilespmem:s21], [sflag:$0x1] =	stream.indirect_vreg.gather [hbm4b:s2+s3], $0x80, v3, vm0, $0xb8;
	[tilespmem:$0x1F800] =	vst v63  }
0xf0: {  	v3 =	vld [tilespmem:$0x198];
	_ =	sdelay $0x4  }
0xf1: {  	v62 =	vperm.xlane v3, v0;
	_ =	sdelay $0x1  }
0xf2: {  	v3 =	vperm.xlane v3, v2;
	v4 =	vadd.s32 v1, v62;
	_ =	sdelay $0x1  }
0xf3: {  	v3 =	vadd.s32 v1, v3;
	_ =	sdelay $0x1  }
0xf4: {  	s22 =	simm.s32 $0x9400  }
0xf5: {  	[tilespmem:s22], [sflag:$0x1] =	stream.indirect_vreg.gather [hbm4b:s2+s3], $0x80, v4, vm0, $0xb8;
	[tilespmem:$0x1F800] =	vst v63  }
0xf6: {  	s21 =	simm.s32 $0xB400  }
0xf7: {  	[tilespmem:s21], [sflag:$0x1] =	stream.indirect_vreg.gather [hbm4b:s2+s3], $0x80, v3, vm0, $0xb8;
	[tilespmem:$0x1F800] =	vst v63  }
0xf8: {  	v3 =	vld [tilespmem:$0x1A8];
	_ =	sdelay $0x4  }
0xf9: {  	v63 =	vperm.xlane v3, v0;
	_ =	sdelay $0x1  }
0xfa: {  	v3 =	vperm.xlane v3, v2;
	v4 =	vadd.s32 v1, v63;
	_ =	sdelay $0x1  }
0xfb: {  	v3 =	vadd.s32 v1, v3;
	_ =	sdelay $0x1  }
0xfc: {  	s22 =	simm.s32 $0xD400  }
0xfd: {  	[tilespmem:s22], [sflag:$0x1] =	stream.indirect_vreg.gather [hbm4b:s2+s3], $0x80, v4, vm0, $0xb8;
	[tilespmem:$0x1F800] =	vst v63  }
0xfe: {  	s21 =	simm.s32 $0xF400  }
0xff: {  	[tilespmem:s21], [sflag:$0x1] =	stream.indirect_vreg.gather [hbm4b:s2+s3], $0x80, v3, vm0, $0xb8;
	[tilespmem:$0x1F800] =	vst v63  }
0x100: {  	v3 =	vld.msk [tilespmem:$0x1B8], $0x3;
	_ =	sdelay $0x4  }
0x101: {  	v3 =	vperm.xlane v3, v0;
	_ =	sdelay $0x1  }
0x102: {  	v3 =	vadd.s32 v1, v3  }
.Ltmp2:
0x103: {  	_ = 	snop;
	(pc) =	sbr.rel .LBB2_2-.Ltmp2, $3  }
0x104: {  	_ =	sdelay $0x1  }
0x105: {  	s20 =	simm.s32 $0x2A0;
	s22 =	simm.s32 $0x11400;
	s21 =	simm.s32 $0x0  }
0x106: {  	[tilespmem:s22], [sflag:$0x1] =	stream.indirect_vreg.gather [hbm4b:s2+s3], $0x80, v3, vm1, $0xb8;
	[tilespmem:$0x1F800] =	vst v63  }
.LBB2_4:
0x107: {  	_ =	swait.ge [sflag:s19], $0x1900  }
0x108: {  	[sflag:s19] =	ssyncset.done $0x0  }
0x109: {  	[sflag:s19] =	ssyncadd.s32 $0xFFFFE700  }
0x10a: {  	_ =	swait.ge [sflag:s19], $0x1900  }
0x10b: {  	[sflag:s19] =	ssyncset.done $0x0  }
0x10c: {  	[sflag:s19] =	ssyncadd.s32 $0xFFFFE700  }
0x10d: {  	_ =	swait.ge [sflag:s19], $0x1900  }
0x10e: {  	[sflag:s19] =	ssyncset.done $0x0  }
0x10f: {  	[sflag:s19] =	ssyncadd.s32 $0xFFFFE700  }
0x110: {  	_ =	swait.ge [sflag:s19], $0x1900  }
0x111: {  	[sflag:s19] =	ssyncset.done $0x0  }
0x112: {  	[sflag:s19] =	ssyncadd.s32 $0xFFFFE700  }
0x113: {  	_ =	swait.ge [sflag:s19], $0x1900  }
0x114: {  	[sflag:s19] =	ssyncset.done $0x0  }
0x115: {  	[sflag:s19] =	ssyncadd.s32 $0xFFFFE700  }
0x116: {  	_ =	swait.ge [sflag:s19], $0x1900  }
0x117: {  	[sflag:s19] =	ssyncset.done $0x0  }
0x118: {  	[sflag:s19] =	ssyncadd.s32 $0xFFFFE700  }
0x119: {  	_ =	swait.ge [sflag:s19], $0x1900  }
0x11a: {  	[sflag:s19] =	ssyncset.done $0x0  }
0x11b: {  	[sflag:s19] =	ssyncadd.s32 $0xFFFFE700  }
0x11c: {  	s21 =	sadd.s32 $0x3800, s21;
	_ =	swait.ge [sflag:s19], $0x1900  }
0x11d: {  	p0 =	sne.s32 s21, $0x38000;
	[sflag:s19] =	ssyncset.done $0x0  }
.Ltmp3:
0x11e: {  	s22 =	sadd.s32 $0x1C00, s22;
	[sflag:s19] =	ssyncadd.s32 $0xFFFFE700;
	(pc) =	sbr.rel @!p0 .LBB2_5-.Ltmp3, $4  }
0x11f: {  	[hbm4b:s22+s3] =	stream.linear.scatter [tilespmem:s12], [sflag:$0x3], $0xE000, $0x38;
	[tilespmem:$0x1F800] =	vst v63  }
0x120: {  	_ =	swait.ge [sflag:s7], $0xE000  }
0x121: {  	[sflag:s7] =	ssyncset.done $0x0  }
0x122: {  	s20 =	sadd.s32 $0x380, s20;
	[sflag:s7] =	ssyncadd.s32 $0xFFFF2000  }
.LBB2_2:
0x123: {  	v3 =	vld [tilespmem:s20+$0xFFFFFF20];
	_ =	sdelay $0x4  }
0x124: {  	v4 =	vperm.xlane v3, v0;
	_ =	sdelay $0x1  }
0x125: {  	v3 =	vperm.xlane v3, v2;
	v4 =	vadd.s32 v1, v4;
	_ =	sdelay $0x1  }
0x126: {  	v3 =	vadd.s32 v1, v3;
	_ =	sdelay $0x2  }
0x127: {  	[tilespmem:s12], [sflag:$0x2] =	stream.indirect_vreg.gather [hbm4b:s2+s3], $0x80, v4, vm0, $0xb8;
	[tilespmem:$0x1F800] =	vst v63  }
0x128: {  	_ = 	snop  }
0x129: {  	[tilespmem:s23], [sflag:$0x2] =	stream.indirect_vreg.gather [hbm4b:s2+s3], $0x80, v3, vm0, $0xb8;
	[tilespmem:$0x1F800] =	vst v63  }
0x12a: {  	v3 =	vld [tilespmem:s20+$0xFFFFFF30];
	_ =	sdelay $0x4  }
0x12b: {  	v41 =	vperm.xlane v3, v0;
	_ =	sdelay $0x1  }
0x12c: {  	v3 =	vperm.xlane v3, v2;
	v4 =	vadd.s32 v1, v41;
	_ =	sdelay $0x1  }
0x12d: {  	v3 =	vadd.s32 v1, v3;
	_ =	sdelay $0x1  }
0x12e: {  	s22 =	simm.s32 $0x15800  }
0x12f: {  	[tilespmem:s22], [sflag:$0x2] =	stream.indirect_vreg.gather [hbm4b:s2+s3], $0x80, v4, vm0, $0xb8;
	[tilespmem:$0x1F800] =	vst v63  }
0x130: {  	s22 =	simm.s32 $0x17800  }
0x131: {  	[tilespmem:s22], [sflag:$0x2] =	stream.indirect_vreg.gather [hbm4b:s2+s3], $0x80, v3, vm0, $0xb8;
	[tilespmem:$0x1F800] =	vst v63  }
0x132: {  	v3 =	vld [tilespmem:s20+$0xFFFFFF40];
	_ =	sdelay $0x4  }
0x133: {  	v42 =	vperm.xlane v3, v0;
	_ =	sdelay $0x1  }
0x134: {  	v3 =	vperm.xlane v3, v2;
	v4 =	vadd.s32 v1, v42;
	_ =	sdelay $0x1  }
0x135: {  	v3 =	vadd.s32 v1, v3;
	_ =	sdelay $0x1  }
0x136: {  	s22 =	simm.s32 $0x19800  }
0x137: {  	[tilespmem:s22], [sflag:$0x2] =	stream.indirect_vreg.gather [hbm4b:s2+s3], $0x80, v4, vm0, $0xb8;
	[tilespmem:$0x1F800] =	vst v63  }
0x138: {  	s22 =	simm.s32 $0x1B800  }
0x139: {  	[tilespmem:s22], [sflag:$0x2] =	stream.indirect_vreg.gather [hbm4b:s2+s3], $0x80, v3, vm0, $0xb8;
	[tilespmem:$0x1F800] =	vst v63  }
0x13a: {  	v3 =	vld.msk [tilespmem:s20+$0xFFFFFF50], $0x3;
	_ =	sdelay $0x4  }
0x13b: {  	v3 =	vperm.xlane v3, v0;
	_ =	sdelay $0x1  }
0x13c: {  	v3 =	vadd.s32 v1, v3;
	_ =	sdelay $0x3  }
0x13d: {  	s22 =	simm.s32 $0x1D800  }
0x13e: {  	[tilespmem:s22], [sflag:$0x2] =	stream.indirect_vreg.gather [hbm4b:s2+s3], $0x80, v3, vm1, $0xb8;
	[tilespmem:$0x1F800] =	vst v63  }
0x13f: {  	v3 =	vld [tilespmem:s20+$0xFFFFFF58];
	_ =	sdelay $0x4  }
0x140: {  	v43 =	vperm.xlane v3, v0;
	_ =	sdelay $0x1  }
0x141: {  	v3 =	vperm.xlane v3, v2;
	v4 =	vadd.s32 v1, v43;
	_ =	sdelay $0x1  }
0x142: {  	v3 =	vadd.s32 v1, v3;
	_ =	sdelay $0x1  }
0x143: {  	s22 =	simm.s32 $0x11C00  }
0x144: {  	[tilespmem:s22], [sflag:$0x2] =	stream.indirect_vreg.gather [hbm4b:s2+s3], $0x80, v4, vm0, $0xb8;
	[tilespmem:$0x1F800] =	vst v63  }
0x145: {  	s22 =	simm.s32 $0x13C00  }
0x146: {  	[tilespmem:s22], [sflag:$0x2] =	stream.indirect_vreg.gather [hbm4b:s2+s3], $0x80, v3, vm0, $0xb8;
	[tilespmem:$0x1F800] =	vst v63  }
0x147: {  	v3 =	vld [tilespmem:s20+$0xFFFFFF68];
	_ =	sdelay $0x4  }
0x148: {  	v44 =	vperm.xlane v3, v0;
	_ =	sdelay $0x1  }
0x149: {  	v3 =	vperm.xlane v3, v2;
	v4 =	vadd.s32 v1, v44;
	_ =	sdelay $0x1  }
0x14a: {  	v3 =	vadd.s32 v1, v3;
	_ =	sdelay $0x1  }
0x14b: {  	s22 =	simm.s32 $0x15C00  }
0x14c: {  	[tilespmem:s22], [sflag:$0x2] =	stream.indirect_vreg.gather [hbm4b:s2+s3], $0x80, v4, vm0, $0xb8;
	[tilespmem:$0x1F800] =	vst v63  }
0x14d: {  	s22 =	simm.s32 $0x17C00  }
0x14e: {  	[tilespmem:s22], [sflag:$0x2] =	stream.indirect_vreg.gather [hbm4b:s2+s3], $0x80, v3, vm0, $0xb8;
	[tilespmem:$0x1F800] =	vst v63  }
0x14f: {  	v3 =	vld [tilespmem:s20+$0xFFFFFF78];
	_ =	sdelay $0x4  }
0x150: {  	v45 =	vperm.xlane v3, v0;
	_ =	sdelay $0x1  }
0x151: {  	v3 =	vperm.xlane v3, v2;
	v4 =	vadd.s32 v1, v45;
	_ =	sdelay $0x1  }
0x152: {  	v3 =	vadd.s32 v1, v3;
	_ =	sdelay $0x1  }
0x153: {  	s22 =	simm.s32 $0x19C00  }
0x154: {  	[tilespmem:s22], [sflag:$0x2] =	stream.indirect_vreg.gather [hbm4b:s2+s3], $0x80, v4, vm0, $0xb8;
	[tilespmem:$0x1F800] =	vst v63  }
0x155: {  	s22 =	simm.s32 $0x1BC00  }
0x156: {  	[tilespmem:s22], [sflag:$0x2] =	stream.indirect_vreg.gather [hbm4b:s2+s3], $0x80, v3, vm0, $0xb8;
	[tilespmem:$0x1F800] =	vst v63  }
0x157: {  	v3 =	vld.msk [tilespmem:s20+$0xFFFFFF88], $0x3;
	_ =	sdelay $0x4  }
0x158: {  	v3 =	vperm.xlane v3, v0;
	_ =	sdelay $0x1  }
0x159: {  	v3 =	vadd.s32 v1, v3;
	_ =	sdelay $0x3  }
0x15a: {  	s22 =	simm.s32 $0x1DC00  }
0x15b: {  	[tilespmem:s22], [sflag:$0x2] =	stream.indirect_vreg.gather [hbm4b:s2+s3], $0x80, v3, vm1, $0xb8;
	[tilespmem:$0x1F800] =	vst v63  }
0x15c: {  	v3 =	vld [tilespmem:s20+$0xFFFFFF90];
	_ =	sdelay $0x4  }
0x15d: {  	v46 =	vperm.xlane v3, v0;
	_ =	sdelay $0x1  }
0x15e: {  	v3 =	vperm.xlane v3, v2;
	v4 =	vadd.s32 v1, v46;
	_ =	sdelay $0x1  }
0x15f: {  	v3 =	vadd.s32 v1, v3;
	_ =	sdelay $0x1  }
0x160: {  	s22 =	simm.s32 $0x12000  }
0x161: {  	[tilespmem:s22], [sflag:$0x2] =	stream.indirect_vreg.gather [hbm4b:s2+s3], $0x80, v4, vm0, $0xb8;
	[tilespmem:$0x1F800] =	vst v63  }
0x162: {  	s22 =	simm.s32 $0x14000  }
0x163: {  	[tilespmem:s22], [sflag:$0x2] =	stream.indirect_vreg.gather [hbm4b:s2+s3], $0x80, v3, vm0, $0xb8;
	[tilespmem:$0x1F800] =	vst v63  }
0x164: {  	v3 =	vld [tilespmem:s20+$0xFFFFFFA0];
	_ =	sdelay $0x4  }
0x165: {  	v47 =	vperm.xlane v3, v0;
	_ =	sdelay $0x1  }
0x166: {  	v3 =	vperm.xlane v3, v2;
	v4 =	vadd.s32 v1, v47;
	_ =	sdelay $0x1  }
0x167: {  	v3 =	vadd.s32 v1, v3;
	_ =	sdelay $0x1  }
0x168: {  	s22 =	simm.s32 $0x16000  }
0x169: {  	[tilespmem:s22], [sflag:$0x2] =	stream.indirect_vreg.gather [hbm4b:s2+s3], $0x80, v4, vm0, $0xb8;
	[tilespmem:$0x1F800] =	vst v63  }
0x16a: {  	s22 =	simm.s32 $0x18000  }
0x16b: {  	[tilespmem:s22], [sflag:$0x2] =	stream.indirect_vreg.gather [hbm4b:s2+s3], $0x80, v3, vm0, $0xb8;
	[tilespmem:$0x1F800] =	vst v63  }
0x16c: {  	v3 =	vld [tilespmem:s20+$0xFFFFFFB0];
	_ =	sdelay $0x4  }
0x16d: {  	v48 =	vperm.xlane v3, v0;
	_ =	sdelay $0x1  }
0x16e: {  	v3 =	vperm.xlane v3, v2;
	v4 =	vadd.s32 v1, v48;
	_ =	sdelay $0x1  }
0x16f: {  	v3 =	vadd.s32 v1, v3;
	_ =	sdelay $0x1  }
0x170: {  	s22 =	simm.s32 $0x1A000  }
0x171: {  	[tilespmem:s22], [sflag:$0x2] =	stream.indirect_vreg.gather [hbm4b:s2+s3], $0x80, v4, vm0, $0xb8;
	[tilespmem:$0x1F800] =	vst v63  }
0x172: {  	s22 =	simm.s32 $0x1C000  }
0x173: {  	[tilespmem:s22], [sflag:$0x2] =	stream.indirect_vreg.gather [hbm4b:s2+s3], $0x80, v3, vm0, $0xb8;
	[tilespmem:$0x1F800] =	vst v63  }
0x174: {  	v3 =	vld.msk [tilespmem:s20+$0xFFFFFFC0], $0x3;
	_ =	sdelay $0x4  }
0x175: {  	v3 =	vperm.xlane v3, v0;
	_ =	sdelay $0x1  }
0x176: {  	v3 =	vadd.s32 v1, v3;
	_ =	sdelay $0x3  }
0x177: {  	s22 =	simm.s32 $0x1E000  }
0x178: {  	[tilespmem:s22], [sflag:$0x2] =	stream.indirect_vreg.gather [hbm4b:s2+s3], $0x80, v3, vm1, $0xb8;
	[tilespmem:$0x1F800] =	vst v63  }
0x179: {  	v3 =	vld [tilespmem:s20+$0xFFFFFFC8];
	_ =	sdelay $0x4  }
0x17a: {  	v49 =	vperm.xlane v3, v0;
	_ =	sdelay $0x1  }
0x17b: {  	v3 =	vperm.xlane v3, v2;
	v4 =	vadd.s32 v1, v49;
	_ =	sdelay $0x1  }
0x17c: {  	v3 =	vadd.s32 v1, v3;
	_ =	sdelay $0x1  }
0x17d: {  	s22 =	simm.s32 $0x12400  }
0x17e: {  	[tilespmem:s22], [sflag:$0x2] =	stream.indirect_vreg.gather [hbm4b:s2+s3], $0x80, v4, vm0, $0xb8;
	[tilespmem:$0x1F800] =	vst v63  }
0x17f: {  	s22 =	simm.s32 $0x14400  }
0x180: {  	[tilespmem:s22], [sflag:$0x2] =	stream.indirect_vreg.gather [hbm4b:s2+s3], $0x80, v3, vm0, $0xb8;
	[tilespmem:$0x1F800] =	vst v63  }
0x181: {  	v3 =	vld [tilespmem:s20+$0xFFFFFFD8];
	_ =	sdelay $0x4  }
0x182: {  	v50 =	vperm.xlane v3, v0;
	_ =	sdelay $0x1  }
0x183: {  	v3 =	vperm.xlane v3, v2;
	v4 =	vadd.s32 v1, v50;
	_ =	sdelay $0x1  }
0x184: {  	v3 =	vadd.s32 v1, v3;
	_ =	sdelay $0x1  }
0x185: {  	s22 =	simm.s32 $0x16400  }
0x186: {  	[tilespmem:s22], [sflag:$0x2] =	stream.indirect_vreg.gather [hbm4b:s2+s3], $0x80, v4, vm0, $0xb8;
	[tilespmem:$0x1F800] =	vst v63  }
0x187: {  	s22 =	simm.s32 $0x18400  }
0x188: {  	[tilespmem:s22], [sflag:$0x2] =	stream.indirect_vreg.gather [hbm4b:s2+s3], $0x80, v3, vm0, $0xb8;
	[tilespmem:$0x1F800] =	vst v63  }
0x189: {  	v3 =	vld [tilespmem:s20+$0xFFFFFFE8];
	_ =	sdelay $0x4  }
0x18a: {  	v51 =	vperm.xlane v3, v0;
	_ =	sdelay $0x1  }
0x18b: {  	v3 =	vperm.xlane v3, v2;
	v4 =	vadd.s32 v1, v51;
	_ =	sdelay $0x1  }
0x18c: {  	v3 =	vadd.s32 v1, v3;
	_ =	sdelay $0x1  }
0x18d: {  	s22 =	simm.s32 $0x1A400  }
0x18e: {  	[tilespmem:s22], [sflag:$0x2] =	stream.indirect_vreg.gather [hbm4b:s2+s3], $0x80, v4, vm0, $0xb8;
	[tilespmem:$0x1F800] =	vst v63  }
0x18f: {  	s22 =	simm.s32 $0x1C400  }
0x190: {  	[tilespmem:s22], [sflag:$0x2] =	stream.indirect_vreg.gather [hbm4b:s2+s3], $0x80, v3, vm0, $0xb8;
	[tilespmem:$0x1F800] =	vst v63  }
0x191: {  	v3 =	vld.msk [tilespmem:s20+$0xFFFFFFF8], $0x3;
	_ =	sdelay $0x4  }
0x192: {  	v3 =	vperm.xlane v3, v0;
	_ =	sdelay $0x1  }
0x193: {  	v3 =	vadd.s32 v1, v3;
	_ =	sdelay $0x3  }
0x194: {  	s22 =	simm.s32 $0x1E400  }
0x195: {  	[tilespmem:s22], [sflag:$0x2] =	stream.indirect_vreg.gather [hbm4b:s2+s3], $0x80, v3, vm1, $0xb8;
	[tilespmem:$0x1F800] =	vst v63  }
0x196: {  	v3 =	vld [tilespmem:s20+$0x0];
	_ =	sdelay $0x4  }
0x197: {  	v52 =	vperm.xlane v3, v0;
	_ =	sdelay $0x1  }
0x198: {  	v3 =	vperm.xlane v3, v2;
	v4 =	vadd.s32 v1, v52;
	_ =	sdelay $0x1  }
0x199: {  	v3 =	vadd.s32 v1, v3;
	_ =	sdelay $0x1  }
0x19a: {  	s22 =	simm.s32 $0x12800  }
0x19b: {  	[tilespmem:s22], [sflag:$0x2] =	stream.indirect_vreg.gather [hbm4b:s2+s3], $0x80, v4, vm0, $0xb8;
	[tilespmem:$0x1F800] =	vst v63  }
0x19c: {  	s22 =	simm.s32 $0x14800  }
0x19d: {  	[tilespmem:s22], [sflag:$0x2] =	stream.indirect_vreg.gather [hbm4b:s2+s3], $0x80, v3, vm0, $0xb8;
	[tilespmem:$0x1F800] =	vst v63  }
0x19e: {  	v3 =	vld [tilespmem:s20+$0x10];
	_ =	sdelay $0x4  }
0x19f: {  	v53 =	vperm.xlane v3, v0;
	_ =	sdelay $0x1  }
0x1a0: {  	v3 =	vperm.xlane v3, v2;
	v4 =	vadd.s32 v1, v53;
	_ =	sdelay $0x1  }
0x1a1: {  	v3 =	vadd.s32 v1, v3;
	_ =	sdelay $0x1  }
0x1a2: {  	s22 =	simm.s32 $0x16800  }
0x1a3: {  	[tilespmem:s22], [sflag:$0x2] =	stream.indirect_vreg.gather [hbm4b:s2+s3], $0x80, v4, vm0, $0xb8;
	[tilespmem:$0x1F800] =	vst v63  }
0x1a4: {  	s22 =	simm.s32 $0x18800  }
0x1a5: {  	[tilespmem:s22], [sflag:$0x2] =	stream.indirect_vreg.gather [hbm4b:s2+s3], $0x80, v3, vm0, $0xb8;
	[tilespmem:$0x1F800] =	vst v63  }
0x1a6: {  	v3 =	vld [tilespmem:s20+$0x20];
	_ =	sdelay $0x4  }
0x1a7: {  	v54 =	vperm.xlane v3, v0;
	_ =	sdelay $0x1  }
0x1a8: {  	v3 =	vperm.xlane v3, v2;
	v4 =	vadd.s32 v1, v54;
	_ =	sdelay $0x1  }
0x1a9: {  	v3 =	vadd.s32 v1, v3;
	_ =	sdelay $0x1  }
0x1aa: {  	s22 =	simm.s32 $0x1A800  }
0x1ab: {  	[tilespmem:s22], [sflag:$0x2] =	stream.indirect_vreg.gather [hbm4b:s2+s3], $0x80, v4, vm0, $0xb8;
	[tilespmem:$0x1F800] =	vst v63  }
0x1ac: {  	s22 =	simm.s32 $0x1C800  }
0x1ad: {  	[tilespmem:s22], [sflag:$0x2] =	stream.indirect_vreg.gather [hbm4b:s2+s3], $0x80, v3, vm0, $0xb8;
	[tilespmem:$0x1F800] =	vst v63  }
0x1ae: {  	v3 =	vld.msk [tilespmem:s20+$0x30], $0x3;
	_ =	sdelay $0x4  }
0x1af: {  	v3 =	vperm.xlane v3, v0;
	_ =	sdelay $0x1  }
0x1b0: {  	v3 =	vadd.s32 v1, v3;
	_ =	sdelay $0x3  }
0x1b1: {  	s22 =	simm.s32 $0x1E800  }
0x1b2: {  	[tilespmem:s22], [sflag:$0x2] =	stream.indirect_vreg.gather [hbm4b:s2+s3], $0x80, v3, vm1, $0xb8;
	[tilespmem:$0x1F800] =	vst v63  }
0x1b3: {  	v3 =	vld [tilespmem:s20+$0x38];
	_ =	sdelay $0x4  }
0x1b4: {  	v55 =	vperm.xlane v3, v0;
	_ =	sdelay $0x1  }
0x1b5: {  	v3 =	vperm.xlane v3, v2;
	v4 =	vadd.s32 v1, v55;
	_ =	sdelay $0x1  }
0x1b6: {  	v3 =	vadd.s32 v1, v3;
	_ =	sdelay $0x1  }
0x1b7: {  	s22 =	simm.s32 $0x12C00  }
0x1b8: {  	[tilespmem:s22], [sflag:$0x2] =	stream.indirect_vreg.gather [hbm4b:s2+s3], $0x80, v4, vm0, $0xb8;
	[tilespmem:$0x1F800] =	vst v63  }
0x1b9: {  	s22 =	simm.s32 $0x14C00  }
0x1ba: {  	[tilespmem:s22], [sflag:$0x2] =	stream.indirect_vreg.gather [hbm4b:s2+s3], $0x80, v3, vm0, $0xb8;
	[tilespmem:$0x1F800] =	vst v63  }
0x1bb: {  	v3 =	vld [tilespmem:s20+$0x48];
	_ =	sdelay $0x4  }
0x1bc: {  	v56 =	vperm.xlane v3, v0;
	_ =	sdelay $0x1  }
0x1bd: {  	v3 =	vperm.xlane v3, v2;
	v4 =	vadd.s32 v1, v56;
	_ =	sdelay $0x1  }
0x1be: {  	v3 =	vadd.s32 v1, v3;
	_ =	sdelay $0x2  }
0x1bf: {  	[tilespmem:s24], [sflag:$0x2] =	stream.indirect_vreg.gather [hbm4b:s2+s3], $0x80, v4, vm0, $0xb8;
	[tilespmem:$0x1F800] =	vst v63  }
0x1c0: {  	_ = 	snop  }
0x1c1: {  	[tilespmem:s25], [sflag:$0x2] =	stream.indirect_vreg.gather [hbm4b:s2+s3], $0x80, v3, vm0, $0xb8;
	[tilespmem:$0x1F800] =	vst v63  }
0x1c2: {  	v3 =	vld [tilespmem:s20+$0x58];
	_ =	sdelay $0x4  }
0x1c3: {  	v57 =	vperm.xlane v3, v0;
	_ =	sdelay $0x1  }
0x1c4: {  	v3 =	vperm.xlane v3, v2;
	v4 =	vadd.s32 v1, v57;
	_ =	sdelay $0x1  }
0x1c5: {  	v3 =	vadd.s32 v1, v3;
	_ =	sdelay $0x2  }
0x1c6: {  	[tilespmem:s26], [sflag:$0x2] =	stream.indirect_vreg.gather [hbm4b:s2+s3], $0x80, v4, vm0, $0xb8;
	[tilespmem:$0x1F800] =	vst v63  }
0x1c7: {  	_ = 	snop  }
0x1c8: {  	[tilespmem:s28], [sflag:$0x2] =	stream.indirect_vreg.gather [hbm4b:s2+s3], $0x80, v3, vm0, $0xb8;
	[tilespmem:$0x1F800] =	vst v63  }
0x1c9: {  	v3 =	vld.msk [tilespmem:s20+$0x68], $0x3;
	_ =	sdelay $0x4  }
0x1ca: {  	v3 =	vperm.xlane v3, v0;
	_ =	sdelay $0x1  }
0x1cb: {  	v3 =	vadd.s32 v1, v3;
	_ =	sdelay $0x4  }
0x1cc: {  	[tilespmem:s29], [sflag:$0x2] =	stream.indirect_vreg.gather [hbm4b:s2+s3], $0x80, v3, vm1, $0xb8;
	[tilespmem:$0x1F800] =	vst v63  }
0x1cd: {  	v3 =	vld [tilespmem:s20+$0x70];
	_ =	sdelay $0x4  }
0x1ce: {  	v58 =	vperm.xlane v3, v0;
	_ =	sdelay $0x1  }
0x1cf: {  	v3 =	vperm.xlane v3, v2;
	v4 =	vadd.s32 v1, v58;
	_ =	sdelay $0x1  }
0x1d0: {  	v3 =	vadd.s32 v1, v3;
	_ =	sdelay $0x2  }
0x1d1: {  	[tilespmem:s30], [sflag:$0x2] =	stream.indirect_vreg.gather [hbm4b:s2+s3], $0x80, v4, vm0, $0xb8;
	[tilespmem:$0x1F800] =	vst v63  }
0x1d2: {  	_ = 	snop  }
0x1d3: {  	[tilespmem:s31], [sflag:$0x2] =	stream.indirect_vreg.gather [hbm4b:s2+s3], $0x80, v3, vm0, $0xb8;
	[tilespmem:$0x1F800] =	vst v63  }
0x1d4: {  	v3 =	vld [tilespmem:s20+$0x80];
	_ =	sdelay $0x4  }
0x1d5: {  	v59 =	vperm.xlane v3, v0;
	_ =	sdelay $0x1  }
0x1d6: {  	v3 =	vperm.xlane v3, v2;
	v4 =	vadd.s32 v1, v59;
	_ =	sdelay $0x1  }
0x1d7: {  	v3 =	vadd.s32 v1, v3;
	_ =	sdelay $0x2  }
0x1d8: {  	[tilespmem:s1], [sflag:$0x2] =	stream.indirect_vreg.gather [hbm4b:s2+s3], $0x80, v4, vm0, $0xb8;
	[tilespmem:$0x1F800] =	vst v63  }
0x1d9: {  	_ = 	snop  }
0x1da: {  	[tilespmem:s0], [sflag:$0x2] =	stream.indirect_vreg.gather [hbm4b:s2+s3], $0x80, v3, vm0, $0xb8;
	[tilespmem:$0x1F800] =	vst v63  }
0x1db: {  	v3 =	vld [tilespmem:s20+$0x90];
	_ =	sdelay $0x4  }
0x1dc: {  	v60 =	vperm.xlane v3, v0;
	_ =	sdelay $0x1  }
0x1dd: {  	v3 =	vperm.xlane v3, v2;
	v4 =	vadd.s32 v1, v60;
	_ =	sdelay $0x1  }
0x1de: {  	v3 =	vadd.s32 v1, v3;
	_ =	sdelay $0x2  }
0x1df: {  	[tilespmem:s4], [sflag:$0x2] =	stream.indirect_vreg.gather [hbm4b:s2+s3], $0x80, v4, vm0, $0xb8;
	[tilespmem:$0x1F800] =	vst v63  }
0x1e0: {  	_ = 	snop  }
0x1e1: {  	[tilespmem:s5], [sflag:$0x2] =	stream.indirect_vreg.gather [hbm4b:s2+s3], $0x80, v3, vm0, $0xb8;
	[tilespmem:$0x1F800] =	vst v63  }
0x1e2: {  	v3 =	vld.msk [tilespmem:s20+$0xA0], $0x3;
	_ =	sdelay $0x4  }
0x1e3: {  	v3 =	vperm.xlane v3, v0;
	_ =	sdelay $0x1  }
0x1e4: {  	v3 =	vadd.s32 v1, v3;
	_ =	sdelay $0x4  }
0x1e5: {  	[tilespmem:s9], [sflag:$0x2] =	stream.indirect_vreg.gather [hbm4b:s2+s3], $0x80, v3, vm1, $0xb8;
	[tilespmem:$0x1F800] =	vst v63  }
0x1e6: {  	v3 =	vld [tilespmem:s20+$0xA8];
	_ =	sdelay $0x4  }
0x1e7: {  	v61 =	vperm.xlane v3, v0;
	_ =	sdelay $0x1  }
0x1e8: {  	v3 =	vperm.xlane v3, v2;
	v4 =	vadd.s32 v1, v61;
	_ =	sdelay $0x1  }
0x1e9: {  	v3 =	vadd.s32 v1, v3;
	_ =	sdelay $0x2  }
0x1ea: {  	[tilespmem:s10], [sflag:$0x2] =	stream.indirect_vreg.gather [hbm4b:s2+s3], $0x80, v4, vm0, $0xb8;
	[tilespmem:$0x1F800] =	vst v63  }
0x1eb: {  	_ = 	snop  }
0x1ec: {  	[tilespmem:s11], [sflag:$0x2] =	stream.indirect_vreg.gather [hbm4b:s2+s3], $0x80, v3, vm0, $0xb8;
	[tilespmem:$0x1F800] =	vst v63  }
0x1ed: {  	v3 =	vld [tilespmem:s20+$0xB8];
	_ =	sdelay $0x4  }
0x1ee: {  	v62 =	vperm.xlane v3, v0;
	_ =	sdelay $0x1  }
0x1ef: {  	v3 =	vperm.xlane v3, v2;
	v4 =	vadd.s32 v1, v62;
	_ =	sdelay $0x1  }
0x1f0: {  	v3 =	vadd.s32 v1, v3;
	_ =	sdelay $0x2  }
0x1f1: {  	[tilespmem:s13], [sflag:$0x2] =	stream.indirect_vreg.gather [hbm4b:s2+s3], $0x80, v4, vm0, $0xb8;
	[tilespmem:$0x1F800] =	vst v63  }
0x1f2: {  	_ = 	snop  }
0x1f3: {  	[tilespmem:s14], [sflag:$0x2] =	stream.indirect_vreg.gather [hbm4b:s2+s3], $0x80, v3, vm0, $0xb8;
	[tilespmem:$0x1F800] =	vst v63  }
0x1f4: {  	v3 =	vld [tilespmem:s20+$0xC8];
	_ =	sdelay $0x4  }
0x1f5: {  	v63 =	vperm.xlane v3, v0;
	_ =	sdelay $0x1  }
0x1f6: {  	v3 =	vperm.xlane v3, v2;
	v4 =	vadd.s32 v1, v63;
	_ =	sdelay $0x1  }
0x1f7: {  	v3 =	vadd.s32 v1, v3;
	_ =	sdelay $0x2  }
0x1f8: {  	[tilespmem:s15], [sflag:$0x2] =	stream.indirect_vreg.gather [hbm4b:s2+s3], $0x80, v4, vm0, $0xb8;
	[tilespmem:$0x1F800] =	vst v63  }
0x1f9: {  	_ = 	snop  }
0x1fa: {  	[tilespmem:s16], [sflag:$0x2] =	stream.indirect_vreg.gather [hbm4b:s2+s3], $0x80, v3, vm0, $0xb8;
	[tilespmem:$0x1F800] =	vst v63  }
0x1fb: {  	v3 =	vld.msk [tilespmem:s20+$0xD8], $0x3;
	_ =	sdelay $0x4  }
0x1fc: {  	v3 =	vperm.xlane v3, v0;
	_ =	sdelay $0x1  }
0x1fd: {  	v3 =	vadd.s32 v1, v3;
	_ =	sdelay $0x4  }
0x1fe: {  	[tilespmem:s17], [sflag:$0x2] =	stream.indirect_vreg.gather [hbm4b:s2+s3], $0x80, v3, vm1, $0xb8;
	[tilespmem:$0x1F800] =	vst v63  }
0x1ff: {  	_ =	swait.ge [sflag:s18], $0x1900  }
0x200: {  	[sflag:s18] =	ssyncset.done $0x0  }
0x201: {  	[sflag:s18] =	ssyncadd.s32 $0xFFFFE700  }
0x202: {  	_ =	swait.ge [sflag:s18], $0x1900  }
0x203: {  	[sflag:s18] =	ssyncset.done $0x0  }
0x204: {  	[sflag:s18] =	ssyncadd.s32 $0xFFFFE700  }
0x205: {  	_ =	swait.ge [sflag:s18], $0x1900  }
0x206: {  	[sflag:s18] =	ssyncset.done $0x0  }
0x207: {  	[sflag:s18] =	ssyncadd.s32 $0xFFFFE700  }
0x208: {  	_ =	swait.ge [sflag:s18], $0x1900  }
0x209: {  	[sflag:s18] =	ssyncset.done $0x0  }
0x20a: {  	[sflag:s18] =	ssyncadd.s32 $0xFFFFE700  }
0x20b: {  	_ =	swait.ge [sflag:s18], $0x1900  }
0x20c: {  	[sflag:s18] =	ssyncset.done $0x0  }
0x20d: {  	[sflag:s18] =	ssyncadd.s32 $0xFFFFE700  }
0x20e: {  	_ =	swait.ge [sflag:s18], $0x1900  }
0x20f: {  	[sflag:s18] =	ssyncset.done $0x0  }
0x210: {  	[sflag:s18] =	ssyncadd.s32 $0xFFFFE700  }
0x211: {  	_ =	swait.ge [sflag:s18], $0x1900  }
0x212: {  	[sflag:s18] =	ssyncset.done $0x0  }
0x213: {  	[sflag:s18] =	ssyncadd.s32 $0xFFFFE700  }
0x214: {  	_ =	swait.ge [sflag:s18], $0x1900  }
0x215: {  	p0 =	seq.s32 s21, $0x34800;
	[sflag:s18] =	ssyncset.done $0x0  }
.Ltmp4:
0x216: {  	s22 =	sadd.s32 s21, s6;
	[sflag:s18] =	ssyncadd.s32 $0xFFFFE700;
	(pc) =	sbr.rel @p0 .LBB2_4-.Ltmp4, $4  }
0x217: {  	[hbm4b:s22+s3] =	stream.linear.scatter [tilespmem:s8], [sflag:$0x3], $0xE000, $0x38;
	[tilespmem:$0x1F800] =	vst v63  }
0x218: {  	_ =	swait.ge [sflag:s7], $0xE000  }
0x219: {  	[sflag:s7] =	ssyncset.done $0x0  }
0x21a: {  	[sflag:s7] =	ssyncadd.s32 $0xFFFF2000  }
0x21b: {  	v3 =	vld [tilespmem:s20+$0xE0];
	_ =	sdelay $0x4  }
0x21c: {  	v4 =	vperm.xlane v3, v0;
	_ =	sdelay $0x1  }
0x21d: {  	v3 =	vperm.xlane v3, v2;
	v4 =	vadd.s32 v1, v4;
	_ =	sdelay $0x1  }
0x21e: {  	v3 =	vadd.s32 v1, v3;
	_ =	sdelay $0x2  }
0x21f: {  	[tilespmem:s8], [sflag:$0x1] =	stream.indirect_vreg.gather [hbm4b:s2+s3], $0x80, v4, vm0, $0xb8;
	[tilespmem:$0x1F800] =	vst v63  }
0x220: {  	s23 =	simm.s32 $0x5800  }
0x221: {  	[tilespmem:s23], [sflag:$0x1] =	stream.indirect_vreg.gather [hbm4b:s2+s3], $0x80, v3, vm0, $0xb8;
	[tilespmem:$0x1F800] =	vst v63  }
0x222: {  	v3 =	vld [tilespmem:s20+$0xF0];
	_ =	sdelay $0x4  }
0x223: {  	v41 =	vperm.xlane v3, v0;
	_ =	sdelay $0x1  }
0x224: {  	v3 =	vperm.xlane v3, v2;
	v4 =	vadd.s32 v1, v41;
	_ =	sdelay $0x1  }
0x225: {  	v3 =	vadd.s32 v1, v3;
	_ =	sdelay $0x1  }
0x226: {  	s23 =	simm.s32 $0x7800  }
0x227: {  	[tilespmem:s23], [sflag:$0x1] =	stream.indirect_vreg.gather [hbm4b:s2+s3], $0x80, v4, vm0, $0xb8;
	[tilespmem:$0x1F800] =	vst v63  }
0x228: {  	s23 =	simm.s32 $0x9800  }
0x229: {  	[tilespmem:s23], [sflag:$0x1] =	stream.indirect_vreg.gather [hbm4b:s2+s3], $0x80, v3, vm0, $0xb8;
	[tilespmem:$0x1F800] =	vst v63  }
0x22a: {  	v3 =	vld [tilespmem:s20+$0x100];
	_ =	sdelay $0x4  }
0x22b: {  	v42 =	vperm.xlane v3, v0;
	_ =	sdelay $0x1  }
0x22c: {  	v3 =	vperm.xlane v3, v2;
	v4 =	vadd.s32 v1, v42;
	_ =	sdelay $0x1  }
0x22d: {  	v3 =	vadd.s32 v1, v3;
	_ =	sdelay $0x1  }
0x22e: {  	s23 =	simm.s32 $0xB800  }
0x22f: {  	[tilespmem:s23], [sflag:$0x1] =	stream.indirect_vreg.gather [hbm4b:s2+s3], $0x80, v4, vm0, $0xb8;
	[tilespmem:$0x1F800] =	vst v63  }
0x230: {  	s23 =	simm.s32 $0xD800  }
0x231: {  	[tilespmem:s23], [sflag:$0x1] =	stream.indirect_vreg.gather [hbm4b:s2+s3], $0x80, v3, vm0, $0xb8;
	[tilespmem:$0x1F800] =	vst v63  }
0x232: {  	v3 =	vld.msk [tilespmem:s20+$0x110], $0x3;
	_ =	sdelay $0x4  }
0x233: {  	v3 =	vperm.xlane v3, v0;
	_ =	sdelay $0x1  }
0x234: {  	v3 =	vadd.s32 v1, v3;
	_ =	sdelay $0x3  }
0x235: {  	s23 =	simm.s32 $0xF800  }
0x236: {  	[tilespmem:s23], [sflag:$0x1] =	stream.indirect_vreg.gather [hbm4b:s2+s3], $0x80, v3, vm1, $0xb8;
	[tilespmem:$0x1F800] =	vst v63  }
0x237: {  	v3 =	vld [tilespmem:s20+$0x118];
	_ =	sdelay $0x4  }
0x238: {  	v43 =	vperm.xlane v3, v0;
	_ =	sdelay $0x1  }
0x239: {  	v3 =	vperm.xlane v3, v2;
	v4 =	vadd.s32 v1, v43;
	_ =	sdelay $0x1  }
0x23a: {  	v3 =	vadd.s32 v1, v3;
	_ =	sdelay $0x1  }
0x23b: {  	s23 =	simm.s32 $0x3C00  }
0x23c: {  	[tilespmem:s23], [sflag:$0x1] =	stream.indirect_vreg.gather [hbm4b:s2+s3], $0x80, v4, vm0, $0xb8;
	[tilespmem:$0x1F800] =	vst v63  }
0x23d: {  	s23 =	simm.s32 $0x5C00  }
0x23e: {  	[tilespmem:s23], [sflag:$0x1] =	stream.indirect_vreg.gather [hbm4b:s2+s3], $0x80, v3, vm0, $0xb8;
	[tilespmem:$0x1F800] =	vst v63  }
0x23f: {  	v3 =	vld [tilespmem:s20+$0x128];
	_ =	sdelay $0x4  }
0x240: {  	v44 =	vperm.xlane v3, v0;
	_ =	sdelay $0x1  }
0x241: {  	v3 =	vperm.xlane v3, v2;
	v4 =	vadd.s32 v1, v44;
	_ =	sdelay $0x1  }
0x242: {  	v3 =	vadd.s32 v1, v3;
	_ =	sdelay $0x1  }
0x243: {  	s23 =	simm.s32 $0x7C00  }
0x244: {  	[tilespmem:s23], [sflag:$0x1] =	stream.indirect_vreg.gather [hbm4b:s2+s3], $0x80, v4, vm0, $0xb8;
	[tilespmem:$0x1F800] =	vst v63  }
0x245: {  	s23 =	simm.s32 $0x9C00  }
0x246: {  	[tilespmem:s23], [sflag:$0x1] =	stream.indirect_vreg.gather [hbm4b:s2+s3], $0x80, v3, vm0, $0xb8;
	[tilespmem:$0x1F800] =	vst v63  }
0x247: {  	v3 =	vld [tilespmem:s20+$0x138];
	_ =	sdelay $0x4  }
0x248: {  	v45 =	vperm.xlane v3, v0;
	_ =	sdelay $0x1  }
0x249: {  	v3 =	vperm.xlane v3, v2;
	v4 =	vadd.s32 v1, v45;
	_ =	sdelay $0x1  }
0x24a: {  	v3 =	vadd.s32 v1, v3;
	_ =	sdelay $0x1  }
0x24b: {  	s23 =	simm.s32 $0xBC00  }
0x24c: {  	[tilespmem:s23], [sflag:$0x1] =	stream.indirect_vreg.gather [hbm4b:s2+s3], $0x80, v4, vm0, $0xb8;
	[tilespmem:$0x1F800] =	vst v63  }
0x24d: {  	s23 =	simm.s32 $0xDC00  }
0x24e: {  	[tilespmem:s23], [sflag:$0x1] =	stream.indirect_vreg.gather [hbm4b:s2+s3], $0x80, v3, vm0, $0xb8;
	[tilespmem:$0x1F800] =	vst v63  }
0x24f: {  	v3 =	vld.msk [tilespmem:s20+$0x148], $0x3;
	_ =	sdelay $0x4  }
0x250: {  	v3 =	vperm.xlane v3, v0;
	_ =	sdelay $0x1  }
0x251: {  	v3 =	vadd.s32 v1, v3;
	_ =	sdelay $0x3  }
0x252: {  	s23 =	simm.s32 $0xFC00  }
0x253: {  	[tilespmem:s23], [sflag:$0x1] =	stream.indirect_vreg.gather [hbm4b:s2+s3], $0x80, v3, vm1, $0xb8;
	[tilespmem:$0x1F800] =	vst v63  }
0x254: {  	v3 =	vld [tilespmem:s20+$0x150];
	_ =	sdelay $0x4  }
0x255: {  	v46 =	vperm.xlane v3, v0;
	_ =	sdelay $0x1  }
0x256: {  	v3 =	vperm.xlane v3, v2;
	v4 =	vadd.s32 v1, v46;
	_ =	sdelay $0x1  }
0x257: {  	v3 =	vadd.s32 v1, v3;
	_ =	sdelay $0x1  }
0x258: {  	s23 =	simm.s32 $0x4000  }
0x259: {  	[tilespmem:s23], [sflag:$0x1] =	stream.indirect_vreg.gather [hbm4b:s2+s3], $0x80, v4, vm0, $0xb8;
	[tilespmem:$0x1F800] =	vst v63  }
0x25a: {  	s23 =	simm.s32 $0x6000  }
0x25b: {  	[tilespmem:s23], [sflag:$0x1] =	stream.indirect_vreg.gather [hbm4b:s2+s3], $0x80, v3, vm0, $0xb8;
	[tilespmem:$0x1F800] =	vst v63  }
0x25c: {  	v3 =	vld [tilespmem:s20+$0x160];
	_ =	sdelay $0x4  }
0x25d: {  	v47 =	vperm.xlane v3, v0;
	_ =	sdelay $0x1  }
0x25e: {  	v3 =	vperm.xlane v3, v2;
	v4 =	vadd.s32 v1, v47;
	_ =	sdelay $0x1  }
0x25f: {  	v3 =	vadd.s32 v1, v3;
	_ =	sdelay $0x1  }
0x260: {  	s23 =	simm.s32 $0x8000  }
0x261: {  	[tilespmem:s23], [sflag:$0x1] =	stream.indirect_vreg.gather [hbm4b:s2+s3], $0x80, v4, vm0, $0xb8;
	[tilespmem:$0x1F800] =	vst v63  }
0x262: {  	s23 =	simm.s32 $0xA000  }
0x263: {  	[tilespmem:s23], [sflag:$0x1] =	stream.indirect_vreg.gather [hbm4b:s2+s3], $0x80, v3, vm0, $0xb8;
	[tilespmem:$0x1F800] =	vst v63  }
0x264: {  	v3 =	vld [tilespmem:s20+$0x170];
	_ =	sdelay $0x4  }
0x265: {  	v48 =	vperm.xlane v3, v0;
	_ =	sdelay $0x1  }
0x266: {  	v3 =	vperm.xlane v3, v2;
	v4 =	vadd.s32 v1, v48;
	_ =	sdelay $0x1  }
0x267: {  	v3 =	vadd.s32 v1, v3;
	_ =	sdelay $0x1  }
0x268: {  	s23 =	simm.s32 $0xC000  }
0x269: {  	[tilespmem:s23], [sflag:$0x1] =	stream.indirect_vreg.gather [hbm4b:s2+s3], $0x80, v4, vm0, $0xb8;
	[tilespmem:$0x1F800] =	vst v63  }
0x26a: {  	s23 =	simm.s32 $0xE000  }
0x26b: {  	[tilespmem:s23], [sflag:$0x1] =	stream.indirect_vreg.gather [hbm4b:s2+s3], $0x80, v3, vm0, $0xb8;
	[tilespmem:$0x1F800] =	vst v63  }
0x26c: {  	v3 =	vld.msk [tilespmem:s20+$0x180], $0x3;
	_ =	sdelay $0x4  }
0x26d: {  	v3 =	vperm.xlane v3, v0;
	_ =	sdelay $0x1  }
0x26e: {  	v3 =	vadd.s32 v1, v3;
	_ =	sdelay $0x3  }
0x26f: {  	s23 =	simm.s32 $0x10000  }
0x270: {  	[tilespmem:s23], [sflag:$0x1] =	stream.indirect_vreg.gather [hbm4b:s2+s3], $0x80, v3, vm1, $0xb8;
	[tilespmem:$0x1F800] =	vst v63  }
0x271: {  	v3 =	vld [tilespmem:s20+$0x188];
	_ =	sdelay $0x4  }
0x272: {  	v49 =	vperm.xlane v3, v0;
	_ =	sdelay $0x1  }
0x273: {  	v3 =	vperm.xlane v3, v2;
	v4 =	vadd.s32 v1, v49;
	_ =	sdelay $0x1  }
0x274: {  	v3 =	vadd.s32 v1, v3;
	_ =	sdelay $0x1  }
0x275: {  	s23 =	simm.s32 $0x4400  }
0x276: {  	[tilespmem:s23], [sflag:$0x1] =	stream.indirect_vreg.gather [hbm4b:s2+s3], $0x80, v4, vm0, $0xb8;
	[tilespmem:$0x1F800] =	vst v63  }
0x277: {  	s23 =	simm.s32 $0x6400  }
0x278: {  	[tilespmem:s23], [sflag:$0x1] =	stream.indirect_vreg.gather [hbm4b:s2+s3], $0x80, v3, vm0, $0xb8;
	[tilespmem:$0x1F800] =	vst v63  }
0x279: {  	v3 =	vld [tilespmem:s20+$0x198];
	_ =	sdelay $0x4  }
0x27a: {  	v50 =	vperm.xlane v3, v0;
	_ =	sdelay $0x1  }
0x27b: {  	v3 =	vperm.xlane v3, v2;
	v4 =	vadd.s32 v1, v50;
	_ =	sdelay $0x1  }
0x27c: {  	v3 =	vadd.s32 v1, v3;
	_ =	sdelay $0x1  }
0x27d: {  	s23 =	simm.s32 $0x8400  }
0x27e: {  	[tilespmem:s23], [sflag:$0x1] =	stream.indirect_vreg.gather [hbm4b:s2+s3], $0x80, v4, vm0, $0xb8;
	[tilespmem:$0x1F800] =	vst v63  }
0x27f: {  	s23 =	simm.s32 $0xA400  }
0x280: {  	[tilespmem:s23], [sflag:$0x1] =	stream.indirect_vreg.gather [hbm4b:s2+s3], $0x80, v3, vm0, $0xb8;
	[tilespmem:$0x1F800] =	vst v63  }
0x281: {  	v3 =	vld [tilespmem:s20+$0x1A8];
	_ =	sdelay $0x4  }
0x282: {  	v51 =	vperm.xlane v3, v0;
	_ =	sdelay $0x1  }
0x283: {  	v3 =	vperm.xlane v3, v2;
	v4 =	vadd.s32 v1, v51;
	_ =	sdelay $0x1  }
0x284: {  	v3 =	vadd.s32 v1, v3;
	_ =	sdelay $0x1  }
0x285: {  	s23 =	simm.s32 $0xC400  }
0x286: {  	[tilespmem:s23], [sflag:$0x1] =	stream.indirect_vreg.gather [hbm4b:s2+s3], $0x80, v4, vm0, $0xb8;
	[tilespmem:$0x1F800] =	vst v63  }
0x287: {  	s23 =	simm.s32 $0xE400  }
0x288: {  	[tilespmem:s23], [sflag:$0x1] =	stream.indirect_vreg.gather [hbm4b:s2+s3], $0x80, v3, vm0, $0xb8;
	[tilespmem:$0x1F800] =	vst v63  }
0x289: {  	v3 =	vld.msk [tilespmem:s20+$0x1B8], $0x3;
	_ =	sdelay $0x4  }
0x28a: {  	v3 =	vperm.xlane v3, v0;
	_ =	sdelay $0x1  }
0x28b: {  	v3 =	vadd.s32 v1, v3;
	_ =	sdelay $0x3  }
0x28c: {  	s23 =	simm.s32 $0x10400  }
0x28d: {  	[tilespmem:s23], [sflag:$0x1] =	stream.indirect_vreg.gather [hbm4b:s2+s3], $0x80, v3, vm1, $0xb8;
	[tilespmem:$0x1F800] =	vst v63  }
0x28e: {  	v3 =	vld [tilespmem:s20+$0x1C0];
	_ =	sdelay $0x4  }
0x28f: {  	v52 =	vperm.xlane v3, v0;
	_ =	sdelay $0x1  }
0x290: {  	v3 =	vperm.xlane v3, v2;
	v4 =	vadd.s32 v1, v52;
	_ =	sdelay $0x1  }
0x291: {  	v3 =	vadd.s32 v1, v3;
	_ =	sdelay $0x1  }
0x292: {  	s23 =	simm.s32 $0x4800  }
0x293: {  	[tilespmem:s23], [sflag:$0x1] =	stream.indirect_vreg.gather [hbm4b:s2+s3], $0x80, v4, vm0, $0xb8;
	[tilespmem:$0x1F800] =	vst v63  }
0x294: {  	s23 =	simm.s32 $0x6800  }
0x295: {  	[tilespmem:s23], [sflag:$0x1] =	stream.indirect_vreg.gather [hbm4b:s2+s3], $0x80, v3, vm0, $0xb8;
	[tilespmem:$0x1F800] =	vst v63  }
0x296: {  	v3 =	vld [tilespmem:s20+$0x1D0];
	_ =	sdelay $0x4  }
0x297: {  	v53 =	vperm.xlane v3, v0;
	_ =	sdelay $0x1  }
0x298: {  	v3 =	vperm.xlane v3, v2;
	v4 =	vadd.s32 v1, v53;
	_ =	sdelay $0x1  }
0x299: {  	v3 =	vadd.s32 v1, v3;
	_ =	sdelay $0x1  }
0x29a: {  	s23 =	simm.s32 $0x8800  }
0x29b: {  	[tilespmem:s23], [sflag:$0x1] =	stream.indirect_vreg.gather [hbm4b:s2+s3], $0x80, v4, vm0, $0xb8;
	[tilespmem:$0x1F800] =	vst v63  }
0x29c: {  	s23 =	simm.s32 $0xA800  }
0x29d: {  	[tilespmem:s23], [sflag:$0x1] =	stream.indirect_vreg.gather [hbm4b:s2+s3], $0x80, v3, vm0, $0xb8;
	[tilespmem:$0x1F800] =	vst v63  }
0x29e: {  	v3 =	vld [tilespmem:s20+$0x1E0];
	_ =	sdelay $0x4  }
0x29f: {  	v54 =	vperm.xlane v3, v0;
	_ =	sdelay $0x1  }
0x2a0: {  	v3 =	vperm.xlane v3, v2;
	v4 =	vadd.s32 v1, v54;
	_ =	sdelay $0x1  }
0x2a1: {  	v3 =	vadd.s32 v1, v3;
	_ =	sdelay $0x1  }
0x2a2: {  	s23 =	simm.s32 $0xC800  }
0x2a3: {  	[tilespmem:s23], [sflag:$0x1] =	stream.indirect_vreg.gather [hbm4b:s2+s3], $0x80, v4, vm0, $0xb8;
	[tilespmem:$0x1F800] =	vst v63  }
0x2a4: {  	s23 =	simm.s32 $0xE800  }
0x2a5: {  	[tilespmem:s23], [sflag:$0x1] =	stream.indirect_vreg.gather [hbm4b:s2+s3], $0x80, v3, vm0, $0xb8;
	[tilespmem:$0x1F800] =	vst v63  }
0x2a6: {  	v3 =	vld.msk [tilespmem:s20+$0x1F0], $0x3;
	_ =	sdelay $0x4  }
0x2a7: {  	v3 =	vperm.xlane v3, v0;
	_ =	sdelay $0x1  }
0x2a8: {  	v3 =	vadd.s32 v1, v3;
	_ =	sdelay $0x3  }
0x2a9: {  	s23 =	simm.s32 $0x10800  }
0x2aa: {  	[tilespmem:s23], [sflag:$0x1] =	stream.indirect_vreg.gather [hbm4b:s2+s3], $0x80, v3, vm1, $0xb8;
	[tilespmem:$0x1F800] =	vst v63  }
0x2ab: {  	v3 =	vld [tilespmem:s20+$0x1F8];
	_ =	sdelay $0x4  }
0x2ac: {  	v55 =	vperm.xlane v3, v0;
	_ =	sdelay $0x1  }
0x2ad: {  	v3 =	vperm.xlane v3, v2;
	v4 =	vadd.s32 v1, v55;
	_ =	sdelay $0x1  }
0x2ae: {  	v3 =	vadd.s32 v1, v3;
	_ =	sdelay $0x1  }
0x2af: {  	s23 =	simm.s32 $0x4C00  }
0x2b0: {  	[tilespmem:s23], [sflag:$0x1] =	stream.indirect_vreg.gather [hbm4b:s2+s3], $0x80, v4, vm0, $0xb8;
	[tilespmem:$0x1F800] =	vst v63  }
0x2b1: {  	s23 =	simm.s32 $0x6C00  }
0x2b2: {  	[tilespmem:s23], [sflag:$0x1] =	stream.indirect_vreg.gather [hbm4b:s2+s3], $0x80, v3, vm0, $0xb8;
	[tilespmem:$0x1F800] =	vst v63  }
0x2b3: {  	v3 =	vld [tilespmem:s20+$0x208];
	_ =	sdelay $0x4  }
0x2b4: {  	v56 =	vperm.xlane v3, v0;
	_ =	sdelay $0x1  }
0x2b5: {  	v3 =	vperm.xlane v3, v2;
	v4 =	vadd.s32 v1, v56;
	_ =	sdelay $0x1  }
0x2b6: {  	v3 =	vadd.s32 v1, v3;
	_ =	sdelay $0x1  }
0x2b7: {  	s23 =	simm.s32 $0x8C00  }
0x2b8: {  	[tilespmem:s23], [sflag:$0x1] =	stream.indirect_vreg.gather [hbm4b:s2+s3], $0x80, v4, vm0, $0xb8;
	[tilespmem:$0x1F800] =	vst v63  }
0x2b9: {  	s23 =	simm.s32 $0xAC00  }
0x2ba: {  	[tilespmem:s23], [sflag:$0x1] =	stream.indirect_vreg.gather [hbm4b:s2+s3], $0x80, v3, vm0, $0xb8;
	[tilespmem:$0x1F800] =	vst v63  }
0x2bb: {  	v3 =	vld [tilespmem:s20+$0x218];
	_ =	sdelay $0x4  }
0x2bc: {  	v57 =	vperm.xlane v3, v0;
	_ =	sdelay $0x1  }
0x2bd: {  	v3 =	vperm.xlane v3, v2;
	v4 =	vadd.s32 v1, v57;
	_ =	sdelay $0x1  }
0x2be: {  	v3 =	vadd.s32 v1, v3;
	_ =	sdelay $0x1  }
0x2bf: {  	s23 =	simm.s32 $0xCC00  }
0x2c0: {  	[tilespmem:s23], [sflag:$0x1] =	stream.indirect_vreg.gather [hbm4b:s2+s3], $0x80, v4, vm0, $0xb8;
	[tilespmem:$0x1F800] =	vst v63  }
0x2c1: {  	s23 =	simm.s32 $0xEC00  }
0x2c2: {  	[tilespmem:s23], [sflag:$0x1] =	stream.indirect_vreg.gather [hbm4b:s2+s3], $0x80, v3, vm0, $0xb8;
	[tilespmem:$0x1F800] =	vst v63  }
0x2c3: {  	v3 =	vld.msk [tilespmem:s20+$0x228], $0x3;
	_ =	sdelay $0x4  }
0x2c4: {  	v3 =	vperm.xlane v3, v0;
	_ =	sdelay $0x1  }
0x2c5: {  	v3 =	vadd.s32 v1, v3;
	_ =	sdelay $0x3  }
0x2c6: {  	s23 =	simm.s32 $0x10C00  }
0x2c7: {  	[tilespmem:s23], [sflag:$0x1] =	stream.indirect_vreg.gather [hbm4b:s2+s3], $0x80, v3, vm1, $0xb8;
	[tilespmem:$0x1F800] =	vst v63  }
0x2c8: {  	v3 =	vld [tilespmem:s20+$0x230];
	_ =	sdelay $0x4  }
0x2c9: {  	v58 =	vperm.xlane v3, v0;
	_ =	sdelay $0x1  }
0x2ca: {  	v3 =	vperm.xlane v3, v2;
	v4 =	vadd.s32 v1, v58;
	_ =	sdelay $0x1  }
0x2cb: {  	v3 =	vadd.s32 v1, v3;
	_ =	sdelay $0x1  }
0x2cc: {  	s23 =	simm.s32 $0x5000  }
0x2cd: {  	[tilespmem:s23], [sflag:$0x1] =	stream.indirect_vreg.gather [hbm4b:s2+s3], $0x80, v4, vm0, $0xb8;
	[tilespmem:$0x1F800] =	vst v63  }
0x2ce: {  	s23 =	simm.s32 $0x7000  }
0x2cf: {  	[tilespmem:s23], [sflag:$0x1] =	stream.indirect_vreg.gather [hbm4b:s2+s3], $0x80, v3, vm0, $0xb8;
	[tilespmem:$0x1F800] =	vst v63  }
0x2d0: {  	v3 =	vld [tilespmem:s20+$0x240];
	_ =	sdelay $0x4  }
0x2d1: {  	v59 =	vperm.xlane v3, v0;
	_ =	sdelay $0x1  }
0x2d2: {  	v3 =	vperm.xlane v3, v2;
	v4 =	vadd.s32 v1, v59;
	_ =	sdelay $0x1  }
0x2d3: {  	v3 =	vadd.s32 v1, v3;
	_ =	sdelay $0x1  }
0x2d4: {  	s23 =	simm.s32 $0x9000  }
0x2d5: {  	[tilespmem:s23], [sflag:$0x1] =	stream.indirect_vreg.gather [hbm4b:s2+s3], $0x80, v4, vm0, $0xb8;
	[tilespmem:$0x1F800] =	vst v63  }
0x2d6: {  	s23 =	simm.s32 $0xB000  }
0x2d7: {  	[tilespmem:s23], [sflag:$0x1] =	stream.indirect_vreg.gather [hbm4b:s2+s3], $0x80, v3, vm0, $0xb8;
	[tilespmem:$0x1F800] =	vst v63  }
0x2d8: {  	v3 =	vld [tilespmem:s20+$0x250];
	_ =	sdelay $0x4  }
0x2d9: {  	v60 =	vperm.xlane v3, v0;
	_ =	sdelay $0x1  }
0x2da: {  	v3 =	vperm.xlane v3, v2;
	v4 =	vadd.s32 v1, v60;
	_ =	sdelay $0x1  }
0x2db: {  	v3 =	vadd.s32 v1, v3;
	_ =	sdelay $0x1  }
0x2dc: {  	s23 =	simm.s32 $0xD000  }
0x2dd: {  	[tilespmem:s23], [sflag:$0x1] =	stream.indirect_vreg.gather [hbm4b:s2+s3], $0x80, v4, vm0, $0xb8;
	[tilespmem:$0x1F800] =	vst v63  }
0x2de: {  	s23 =	simm.s32 $0xF000  }
0x2df: {  	[tilespmem:s23], [sflag:$0x1] =	stream.indirect_vreg.gather [hbm4b:s2+s3], $0x80, v3, vm0, $0xb8;
	[tilespmem:$0x1F800] =	vst v63  }
0x2e0: {  	v3 =	vld.msk [tilespmem:s20+$0x260], $0x3;
	_ =	sdelay $0x4  }
0x2e1: {  	v3 =	vperm.xlane v3, v0;
	_ =	sdelay $0x1  }
0x2e2: {  	v3 =	vadd.s32 v1, v3;
	_ =	sdelay $0x3  }
0x2e3: {  	s23 =	simm.s32 $0x11000  }
0x2e4: {  	[tilespmem:s23], [sflag:$0x1] =	stream.indirect_vreg.gather [hbm4b:s2+s3], $0x80, v3, vm1, $0xb8;
	[tilespmem:$0x1F800] =	vst v63  }
0x2e5: {  	v3 =	vld [tilespmem:s20+$0x268];
	_ =	sdelay $0x4  }
0x2e6: {  	v61 =	vperm.xlane v3, v0;
	_ =	sdelay $0x1  }
0x2e7: {  	v3 =	vperm.xlane v3, v2;
	v4 =	vadd.s32 v1, v61;
	_ =	sdelay $0x1  }
0x2e8: {  	v3 =	vadd.s32 v1, v3;
	_ =	sdelay $0x1  }
0x2e9: {  	s23 =	simm.s32 $0x5400  }
0x2ea: {  	[tilespmem:s23], [sflag:$0x1] =	stream.indirect_vreg.gather [hbm4b:s2+s3], $0x80, v4, vm0, $0xb8;
	[tilespmem:$0x1F800] =	vst v63  }
0x2eb: {  	s23 =	simm.s32 $0x7400  }
0x2ec: {  	[tilespmem:s23], [sflag:$0x1] =	stream.indirect_vreg.gather [hbm4b:s2+s3], $0x80, v3, vm0, $0xb8;
	[tilespmem:$0x1F800] =	vst v63  }
0x2ed: {  	v3 =	vld [tilespmem:s20+$0x278];
	_ =	sdelay $0x4  }
0x2ee: {  	v62 =	vperm.xlane v3, v0;
	_ =	sdelay $0x1  }
0x2ef: {  	v3 =	vperm.xlane v3, v2;
	v4 =	vadd.s32 v1, v62;
	_ =	sdelay $0x1  }
0x2f0: {  	v3 =	vadd.s32 v1, v3;
	_ =	sdelay $0x1  }
0x2f1: {  	s23 =	simm.s32 $0x9400  }
0x2f2: {  	[tilespmem:s23], [sflag:$0x1] =	stream.indirect_vreg.gather [hbm4b:s2+s3], $0x80, v4, vm0, $0xb8;
	[tilespmem:$0x1F800] =	vst v63  }
0x2f3: {  	s23 =	simm.s32 $0xB400  }
0x2f4: {  	[tilespmem:s23], [sflag:$0x1] =	stream.indirect_vreg.gather [hbm4b:s2+s3], $0x80, v3, vm0, $0xb8;
	[tilespmem:$0x1F800] =	vst v63  }
0x2f5: {  	v3 =	vld [tilespmem:s20+$0x288];
	_ =	sdelay $0x4  }
0x2f6: {  	v63 =	vperm.xlane v3, v0;
	_ =	sdelay $0x1  }
0x2f7: {  	v3 =	vperm.xlane v3, v2;
	v4 =	vadd.s32 v1, v63;
	_ =	sdelay $0x1  }
0x2f8: {  	v3 =	vadd.s32 v1, v3;
	_ =	sdelay $0x1  }
0x2f9: {  	s23 =	simm.s32 $0xD400  }
0x2fa: {  	[tilespmem:s23], [sflag:$0x1] =	stream.indirect_vreg.gather [hbm4b:s2+s3], $0x80, v4, vm0, $0xb8;
	[tilespmem:$0x1F800] =	vst v63  }
0x2fb: {  	s23 =	simm.s32 $0xF400  }
0x2fc: {  	[tilespmem:s23], [sflag:$0x1] =	stream.indirect_vreg.gather [hbm4b:s2+s3], $0x80, v3, vm0, $0xb8;
	[tilespmem:$0x1F800] =	vst v63  }
0x2fd: {  	v3 =	vld.msk [tilespmem:s20+$0x298], $0x3;
	_ =	sdelay $0x4  }
0x2fe: {  	v3 =	vperm.xlane v3, v0;
	_ =	sdelay $0x1  }
0x2ff: {  	v3 =	vadd.s32 v1, v3;
	_ =	sdelay $0x1  }
.Ltmp5:
0x300: {  	_ = 	snop;
	(pc) =	sbr.rel .LBB2_4-.Ltmp5, $4  }
0x301: {  	_ = 	snop  }
0x302: {  	s23 =	simm.s32 $0x11400  }
0x303: {  	[tilespmem:s23], [sflag:$0x1] =	stream.indirect_vreg.gather [hbm4b:s2+s3], $0x80, v3, vm1, $0xb8;
	[tilespmem:$0x1F800] =	vst v63  }
0x304: {  	s23 =	simm.s32 $0x13800  }
.LBB2_6:
0x305: {  	_ =	sfence.sel $0x180000  }
0x306: {  	[bflag:$0x0] =	sbarrier.arrive $0xFFFF  }
0x307: {  	_ =	strace $0x90000047  }
0x308: {  	s0 =	stileid.u32;
	[bflag:$0x2] =	sbarrier.arrive $0xFFFF  }
0x309: {  	p0 =	sne.s32 s0, $0x0;
	s0 =	rddreg [dreg:$0x2]  }
0x30a: {  	s0 =	sadd.s32 @!p0 $0x100000, s0  }
0x30b: {  	[sflag:s0] =	ssyncadd.tile.s32 @!p0 $0x1;
	_ =	shalt  }
.Lfunc_end2:
_tile_overlayer_lowered:
.L_overlay_start_2:
0x30c: {  	(tag) =	ssettag $0x2  }
0x30d: {  	s0 =	rddreg [dreg:$0x0];
	s2 =	stileid.u32  }
0x30e: {  	s1 =	rddreg [dreg:$0x1];
	p0 =	sne.s32 s2, $0x0  }
0x30f: {  	s3 =	rddreg [dreg:$0x2];
	[bflag:$0x3] =	sbarrier.arrive $0xFFFF;
	s2 =	simm.s32 @!p0 $0x1C03  }
0x310: {  	[timem:s3], [sflag:s2] =	dma.local @!p0 [hbm:s0], s1  }
0x311: {  	s0 =	simm.s32 @!p0 $0x3  }
0x312: {  	_ =	swait.ge @!p0 [sflag:s0], s1  }
0x313: {  	s1 =	ssub.s32 @!p0 $0x0, s1;
	[sflag:s0] =	ssyncset.done @!p0 $0x0  }
0x314: {  	[sflag:s0] =	ssyncadd.s32 @!p0 s1  }
0x315: {  	[bflag:$0x3] =	sbarrier.arrive $0xFFFF  }
0x316: {  	_ =	shalt  }

// kernel: sparse-core-data-format-call.cloned.1.call-start
scs
called_computation_lowered:
.L_overlay_start_0:
0x0: {  	s2 =	sld [smem:$0x3FD9]  }
0x1: {  	s3 =	sld [smem:$0x3FFE];
	_ =	sdelay $0x1  }
0x2: {  	s1 =	srdreg.scid  }
0x3: {  	s0 =	sand.u32 $0x1, s1  }
0x4: {  	s18 =	sshll.u32 s0, $0xA;
	s2 =	sadd.s32 s3, s2  }
0x5: {  	s2 =	sadd.s32 s2, s18  }
0x6: {  	[smem:$0x3FC5] =	sst s2  }
0x7: {  	_ = 	snop  }
0x8: {  	s2 =	sld [smem:$0x3FD0];
	(tm) =	ssettm $0x1  }
0x9: {  	s19 =	sld [smem:$0x3FFB];
	_ =	sdelay $0x3  }
0xa: {  	_ =	strace s19  }
0xb: {  	s3 =	sld [smem:$0x3FFC];
	_ =	sdelay $0x3  }
0xc: {  	_ =	strace s3  }
0xd: {  	s3 =	sld [smem:$0x3FFD];
	_ =	sdelay $0x3  }
0xe: {  	_ =	strace s3  }
0xf: {  	_ =	strace $0x8FFFFFFF  }
0x10: {  	s20 =	sld [smem:$0x3FDB];
	_ =	sdelay $0x1  }
0x11: {  	s4 =	simm.s32 $_scs_section_size  }
0x12: {  	s5 =	simm.s32 $_size__tile_overlayer_lowered;
	s6 =	simm.s32 $_tile_overlayer_lowered  }
0x13: {  	s23 =	simm.s32 $0x1BFF;
	s22 =	sshll.u32 s6, $0x1;
	s3 =	sadd.s32 s4, s20  }
0x14: {  	s7 =	simm.s32 $0x0;
	s21 =	sshll.u32 s5, $0x1;
	s5 =	sadd.s32 s22, s3  }
0x15: {  	[timem:s7], [sflag:s23] =	dma.local [hbm:s5], s21  }
0x16: {  	_ =	swait.ge [sflag:s23], s21  }
0x17: {  	s4 =	ssub.s32 $0x0, s21;
	[sflag:s23] =	ssyncset.done $0x0  }
0x18: {  	[sflag:s23] =	ssyncadd.s32 s4;
	_ =	sdelay $0x1  }
0x19: {  	s24 =	simm.s32 $0x1B8B  }
0x1a: {  	_ =	swait.ge [sflag:s24], $0x1  }
0x1b: {  	[sflag:s24] =	ssyncset.done $0x0  }
0x1c: {  	s26 =	simm.s32 $0x1B8E;
	s25 =	sld [smem:$0x3FFE];
	[sflag:s24] =	ssyncadd.s32 $0xFFFFFFFF  }
0x1d: {  	s27 =	simm.s32 $execute0_lowered;
	[smem:$0x3FD2] =	sst s26  }
0x1e: {  	s5 =	sshll.u32 s27, $0x1;
	_ =	strace $0x80000049;
	[dreg:$0x1] =	wrdreg $0xFFFFFFFF  }
0x1f: {  	s28 =	simm.s32 $_size_execute0_lowered;
	s3 =	sadd.s32 s3, s5;
	[dreg:$0x0] =	wrdreg $0x0  }
0x20: {  	s5 =	sshll.u32 s28, $0x1;
	[dreg:$0x2] =	wrdreg s3  }
0x21: {  	[dreg:$0x3] =	wrdreg s5  }
0x22: {  	[dreg:$0x4] =	wrdreg $0xC0  }
0x23: {  	_ =	task [dreg:s7], $0x5FFFF  }
0x24: {  	[dreg:$0x1] =	wrdreg $0xFFFFFFFF  }
0x25: {  	[dreg:$0x0] =	wrdreg $0x60  }
0x26: {  	[dreg:$0x2] =	wrdreg s25  }
0x27: {  	[dreg:$0x3] =	wrdreg s2  }
0x28: {  	[dreg:$0x4] =	wrdreg $0x9  }
0x29: {  	_ =	task.clear_ibuf [dreg:s7], $0x5FFFF;
	_ =	strace $0x90000049  }
0x2a: {  	s29 =	simm.s32 $0x9;
	_ =	strace $0x8000004B  }
0x2b: {  	_ =	swait.ge [sflag:s29], $0x1  }
0x2c: {  	[sflag:s29] =	ssyncadd.s32 $0xFFFFFFFF  }
0x2d: {  	_ =	strace $0x9000004B  }
0x2e: {  	_ =	sfence  }
0x2f: {  	s30 =	sld [smem:$0x0];
	_ =	sdelay $0x2  }
0x30: {  	s31 =	sshll.u32 s1, $0xD;
	s1 =	sshrl.u32 s1, $0x2  }
0x31: {  	s3 =	sand.u32 $0x4000, s31;
	s1 =	sadd.s32 s1, s30  }
0x32: {  	s0 =	sor.u32 s3, s0;
	s1 =	sshll.u32 s1, $0x11  }
0x33: {  	s0 =	sor.u32 s1, s0  }
0x34: {  	s0 =	sadd.s32 $0x8F2B, s0  }
0x35: {  	[sflag:s0] =	ssyncadd.remote.s32 $0x1  }
0x36: {  	_ =	sfence.sel $0xFFFF  }
0x37: {  	[dreg:$0x0] =	wrdreg $0xFFFFFFFF;
	(pc) =	sbr.abs _section_cstart, $3  }
0x38: {  	[dreg:$0x1] =	wrdreg $0xFFFFFFFF  }
0x39: {  	_ =	task.clear_ibuf [dreg:s7], $0x2FFFF;
	_ =	strace $0x9FFFFFFF  }
0x3a: {  	(tm) =	ssettm $0x7FFFFFFF  }
0x3b: {  	_ =	shalt  }
tec
execute0_lowered:
.L_overlay_start_1:
0x0: {  	(tag) =	ssettag $0x1  }
0x1: {  	s4 =	rddreg [dreg:$0x0]  }
0x2: {  	s0 =	stileid.u32;
	s2 =	rddreg [dreg:$0x1]  }
0x3: {  	s7 =	srdreg.scid;
	s31 =	simm.s32 $0x2;
	s17 =	simm.s32 $0x0  }
0x4: {  	s9 =	simm.s32 $0x2000;
	s19 =	simm.s32 $0x0;
	s18 =	simm.s32 $0x0  }
0x5: {  	s10 =	simm.s32 $0x0;
	s11 =	simm.s32 $0x0;
	s1 =	sshll.u32 s0, $0x7  }
0x6: {  	s12 =	simm.s32 $0x0;
	s14 =	simm.s32 $0x0;
	s3 =	sand.u32 $0x380, s1  }
0x7: {  	s16 =	simm.s32 $0x0;
	s4 =	sadd.s32 $0xE800, s4;
	s5 =	ssub.s32 $0x400, s3  }
0x8: {  	s8 =	sshll.u32 s0, $0x4;
	s7 =	sshll.u32 s7, $0x8;
	s6 =	sand.u32 $0x380, s5  }
0x9: {  	s1 =	rddreg [dreg:$0x2];
	p0 =	sne.s32 s6, $0x0;
	s6 =	simm.s32 $0x1  }
.Ltmp0:
0xa: {  	s5 =	sshrl.u32 s5, $0xA;
	s6 =	simm.s32 @!p0 $0x0;
	(pc) =	sbr.rel .LBB1_1-.Ltmp0, $4  }
0xb: {  	_ =	strace $0x8000004A;
	s7 =	sor.u32 s8, s7;
	s6 =	sadd.s32 s6, s5  }
0xc: {  	s7 =	sand.u32 $0x180, s7;
	s5 =	simm.s32 $0x1;
	s6 =	smul.u32 $0x64, s6  }
0xd: {  	s15 =	smov.u32 s3;
	s13 =	smov.u32 s7;
	[sflag:s5] =	ssyncpa.u1 $0x0  }
0xe: {  	p0 =	por $0x0, $0x0;
	[sflag:s31] =	ssyncpa.u1 $0x0;
	s8 =	sor.u32 $0x1, s6  }
.LBB1_4:
0xf: {  	s25 =	sshll.u32 s10, $0xA;
	s24 =	sshra.s32 s24, $0x2;
	s26 =	sshll.u32 s12, $0x3  }
0x10: {  	p1 =	sgt.s32 s11, $0x31;
	s27 =	smov.u32 s11;
	s28 =	sshra.s32 s11, $0x1F  }
0x11: {  	p2 =	sgt.s32 s12, $0x380;
	s31 =	sshra.s32 s12, $0x1F;
	s25 =	sand.u32 $0xFFFFE000, s25  }
0x12: {  	s26 =	sand.u32 $0xFFFFFC00, s26;
	s27 =	simm.s32 @!p1 $0x31;
	s28 =	sand.u32 s28, s11  }
0x13: {  	[tilespmem:s22+$0x2040 ss:$0x81] =	vst.msk $0xffff, v4;
	s23 =	sadd.s32 s24, s23;
	s29 =	sadd.s32 s26, s25;
	s25 =	ssub.s32 s27, s28  }
0x14: {  	[tilespmem:s22+$0x2850 ss:$0x81] =	vst.msk $0xffff, v3;
	s27 =	smov.u32 s12;
	s28 =	smov.u32 s10;
	s26 =	sand.u32 s31, s12  }
0x15: {  	[tilespmem:s22+$0x3060 ss:$0x81] =	vst.msk $0xffff, v2;
	s24 =	sshrl.u32 s29, $0xA;
	s30 =	sadd.s32 $0xFFFFFFCF, s25;
	s27 =	simm.s32 @!p2 $0x380  }
0x16: {  	v5 =	vld [tilespmem:s21+$0xFFFFFFD0];
	[tilespmem:s22+$0x0 ss:$0x81] =	vst.msk $0xffff, v1;
	p2 =	sgt.s32 s10, $0x368;
	s29 =	sshra.s32 s10, $0x1F;
	s22 =	ssub.s32 $0x32, s25  }
0x17: {  	v58 =	vld [tilespmem:s21+$0xFFFFFFE0];
	p1 =	sgt.s32 s30, $0x0;
	s28 =	simm.s32 @!p2 $0x368;
	s29 =	sand.u32 s29, s10  }
0x18: {  	v59 =	vld [tilespmem:s21+$0xFFFFFFF0];
	s26 =	ssub.s32 s27, s26;
	s27 =	smulhi.u32 $0x418938, s24;
	s28 =	ssub.s32 s28, s29  }
0x19: {  	v60 =	vld [tilespmem:s21+$0x0];
	s30 =	sadd.s32 $0xFFFFFC80, s26;
	s25 =	ssub.s32 $0x400, s26;
	s22 =	simm.s32 @p1 $0x0  }
0x1a: {  	v61 =	vld [tilespmem:s21+$0x10];
	[tilespmem:s23+$0x3870 ss:$0x81] =	vst.msk $0xffff, v0;
	s29 =	sand.u32 $0x78, s12;
	p2 =	sgt.s32 s30, $0x7F;
	s31 =	sadd.s32 $0xFFFFFC98, s28  }
0x1b: {  	v62 =	vld [tilespmem:s21+$0x20];
	[tilespmem:s23+$0x810 ss:$0x81] =	vst.msk $0xffff, v5;
	s27 =	smul.u32 $0x3E8, s27;
	s30 =	sshll.u32 s10, $0x7;
	s28 =	ssub.s32 $0x3E8, s28  }
0x1c: {  	v63 =	vld [tilespmem:s21+$0xFFFFFFC0];
	[tilespmem:s23+$0x1020 ss:$0x81] =	vst.msk $0xffff, v58;
	s25 =	simm.s32 @p2 $0x0;
	p1 =	sgt.s32 s31, $0x7F;
	s31 =	smul.u32 $0x1F400, s11  }
0x1d: {  	[tilespmem:s23+$0x1830 ss:$0x81] =	vst.msk $0xffff, v59;
	s21 =	sand.u32 $0x380, s30;
	s22 =	smul.u32 s25, s22;
	s28 =	simm.s32 @p1 $0x0  }
0x1e: {  	[tilespmem:s23+$0x2040 ss:$0x81] =	vst.msk $0xffff, v60;
	s21 =	sor.u32 s29, s21;
	s24 =	ssub.s32 s24, s27;
	s29 =	sand.u32 $0x7, s12  }
0x1f: {  	[tilespmem:s23+$0x2850 ss:$0x81] =	vst.msk $0xffff, v61;
	s21 =	sshrl.u32 s21, $0x3;
	s25 =	sadd.s32 s2, s31;
	s22 =	smul.u32 s28, s22  }
0x20: {  	[tilespmem:s23+$0x3060 ss:$0x81] =	vst.msk $0xffff, v62;
	s24 =	sshll.u32 s24, $0x7;
	s30 =	sshll.u32 s29, $0x12;
	s21 =	sadd.s32 s21, s25  }
0x21: {  	[tilespmem:s23+$0x0 ss:$0x81] =	vst.msk $0xffff, v63;
	s31 =	sor.u32 $0x400, s30;
	s21 =	sadd.s32 s24, s21;
	s22 =	sand.u32 $0x3FFFFFFF, s22  }
0x22: {  	[hbm4b:s21+s31] =	stream.strided.scatter [tilespmem:s20], [sflag:$0x2], s22, s9, s31, $0x20;
	[tilespmem:$0x10100] =	vst v63  }
.LBB1_5:
0x23: {  	p1 =	slt.u32 s16, $0x2  }
0x24: {  	p2 =	sgt.s32 @!p1 s19, $0x31  }
0x25: {  	s20 =	smov.u32 s19;
	s21 =	sshra.s32 @!p1 s19, $0x1F;
	p2 =	por !p2, p1  }
0x26: {  	s19 =	sand.u32 @!p1 s21, s19;
	s20 =	simm.s32 @p2 $0x31  }
0x27: {  	p3 =	sgt.s32 @!p1 s17, $0x368;
	s19 =	ssub.s32 @!p1 s20, s19  }
0x28: {  	p4 =	sgt.s32 @!p1 s18, $0x380;
	s22 =	sshra.s32 @!p1 s18, $0x1F;
	s20 =	sadd.s32 @!p1 $0xFFFFFFCF, s19  }
0x29: {  	s21 =	smov.u32 s17;
	p2 =	sgt.s32 @!p1 s20, $0x0;
	s20 =	sshra.s32 @!p1 s17, $0x1F  }
0x2a: {  	p4 =	por !p4, p1;
	s17 =	sand.u32 @!p1 s20, s17;
	s20 =	smov.u32 s18  }
0x2b: {  	p3 =	por !p3, p1;
	s18 =	sand.u32 @!p1 s22, s18;
	s20 =	simm.s32 @p4 $0x380  }
0x2c: {  	s21 =	simm.s32 @p3 $0x368;
	s19 =	ssub.s32 @!p1 $0x32, s19;
	s18 =	ssub.s32 @!p1 s20, s18  }
0x2d: {  	p2 =	por !p2, p1;
	s17 =	ssub.s32 @!p1 s21, s17;
	s21 =	sadd.s32 @!p1 $0xFFFFFC80, s18  }
0x2e: {  	s19 =	simm.s32 @!p2 $0x0;
	p3 =	sgt.s32 @!p1 s21, $0x7F  }
0x2f: {  	s20 =	sadd.s32 @!p1 $0xFFFFFC98, s17;
	s18 =	ssub.s32 @!p1 $0x400, s18;
	p3 =	por !p3, p1  }
0x30: {  	p2 =	sgt.s32 @!p1 s20, $0x7F;
	s20 =	sadd.s32 $0x200, s13;
	s18 =	simm.s32 @!p3 $0x0  }
0x31: {  	p3 =	sgt.s32 s20, $0x3E7;
	s18 =	smul.u32 @!p1 s18, s19;
	s19 =	simm.s32 $0x1  }
0x32: {  	s17 =	ssub.s32 @!p1 $0x3E8, s17;
	p2 =	por !p2, p1;
	s19 =	simm.s32 @!p3 $0x0  }
0x33: {  	s22 =	smov.u32 s15;
	s17 =	simm.s32 @!p2 $0x0;
	s21 =	sadd.s32 s19, s14  }
0x34: {  	s17 =	smul.u32 @!p1 s17, s18;
	s18 =	sadd.s32 $0x400, s15;
	p2 =	sgt.s32 s21, $0x31  }
0x35: {  	p0 =	por !p0, !p0;
	s23 =	simm.s32 @!p1 $0x2;
	s22 =	smov.u32 @p2 s18  }
0x36: {  	s20 =	smov.u32 @p3 s7;
	s21 =	simm.s32 @p2 $0x0;
	p2 =	sgt.s32 s22, $0x3FF  }
0x37: {  	s19 =	smov.u32 s11;
	s22 =	smov.u32 @p2 s3;
	p2 =	sne.s32 s16, s8  }
.Ltmp1:
0x38: {  	s11 =	smov.u32 s14;
	s17 =	sand.u32 @!p1 $0x3FFFFFFF, s17;
	(pc) =	sbr.rel @!p2 .LBB1_6-.Ltmp1, $4  }
0x39: {  	s18 =	smov.u32 s12;
	s12 =	smov.u32 s15;
	_ =	swait.ge @!p1 [sflag:s23], s17  }
0x3a: {  	s24 =	ssub.s32 @!p1 $0x0, s17;
	s17 =	smov.u32 s10;
	s10 =	smov.u32 s13  }
0x3b: {  	s13 =	smov.u32 s20;
	s14 =	smov.u32 s21;
	[sflag:s23] =	ssyncset.done @!p1 $0x0  }
0x3c: {  	s16 =	sadd.s32 $0x1, s16;
	[sflag:s23] =	ssyncadd.s32 @!p1 s24;
	s15 =	smov.u32 s22  }
.LBB1_1:
0x3d: {  	p1 =	sge.u32 s16, s6  }
0x3e: {  	s20 =	sshll.u32 @!p1 s14, $0xA  }
0x3f: {  	s21 =	sshll.u32 @!p1 s13, $0x3;
	s20 =	sand.u32 @!p1 $0xFFFFE000, s20  }
0x40: {  	s20 =	sadd.s32 @!p1 s20, s21  }
0x41: {  	s20 =	sshrl.u32 @!p1 s20, $0xA  }
0x42: {  	s21 =	smulhi.u32 @!p1 $0x4924925, s20  }
0x43: {  	s22 =	sshll.u32 @!p1 s14, $0x7;
	s24 =	smul.u32 @!p1 $0x1C00, s15  }
0x44: {  	s23 =	sand.u32 @!p1 $0x78, s13;
	s22 =	sand.u32 @!p1 $0x380, s22;
	s21 =	smul.u32 @!p1 $0x38, s21  }
0x45: {  	s31 =	sadd.s32 $0xFFFFFFFF, s16;
	s22 =	sor.u32 @!p1 s23, s22;
	s23 =	sadd.s32 @!p1 s4, s24  }
0x46: {  	s22 =	sshrl.u32 @!p1 s22, $0x3;
	s20 =	ssub.s32 @!p1 s20, s21;
	s21 =	sxor.u32 @!p1 $0xFFFFFFFF, s16  }
0x47: {  	s22 =	sadd.s32 @!p1 s22, s23;
	s23 =	sand.u32 @!p1 $0x7, s13;
	s21 =	sshll.u32 @!p1 s21, $0xE  }
0x48: {  	s23 =	sshll.u32 @!p1 s23, $0x12;
	s20 =	sshll.u32 @!p1 s20, $0x7;
	s21 =	sand.u32 @!p1 $0x4000, s21  }
0x49: {  	s20 =	sadd.s32 @!p1 s20, s22;
	s22 =	sor.u32 @!p1 $0x80, s23;
	s23 =	simm.s32 @!p1 $0xE000  }
0x4a: {  	[tilespmem:s21], [sflag:$0x1] =	stream.strided.gather @!p1 [hbm4b:s20+s22], $0x4000, s23, s22, $0x38;
	[tilespmem:$0x10100] =	vst v63  }
0x4b: {  	p1 =	sge.u32 s31, s6  }
.Ltmp2:
0x4c: {  	_ = 	snop;
	(pc) =	sbr.rel @p1 .LBB1_5-.Ltmp2, $1  }
0x4d: {  	_ =	sdelay $0x3  }
0x4e: {  	s20 =	simm.s32 $0x1  }
0x4f: {  	_ =	swait.ge [sflag:s5], $0x4000;
	s20 =	simm.s32 @!p0 $0x0  }
0x50: {  	[sflag:s5] =	ssyncset.done $0x0;
	s21 =	sshll.u32 s20, $0xE  }
0x51: {  	[sflag:s5] =	ssyncadd.s32 $0xFFFFC000;
	s21 =	sor.u32 $0x40, s21  }
0x52: {  	s20 =	smul.u32 $0x10200, s20;
	v0 =	vld [tilespmem:s21+$0x30]  }
0x53: {  	v1 =	vld [tilespmem:s21+$0xFFFFFFD0]  }
0x54: {  	s20 =	sshrl.u32 s20, $0x2;
	v5 =	vld [tilespmem:s21+$0xFFFFFFE0]  }
0x55: {  	v6 =	vld [tilespmem:s21+$0xFFFFFFF0];
	s23 =	sor.u32 $0x8000, s20  }
0x56: {  	s31 =	sand.u32 $0x1, s16;
	v4 =	vld [tilespmem:s21+$0x0];
	s22 =	sadd.s32 $0x0, s23  }
0x57: {  	v3 =	vld [tilespmem:s21+$0x10];
	s20 =	smul.u32 $0x10200, s31;
	[tilespmem:s22+$0x3870 ss:$0x81] =	vst.msk $0xffff, v0  }
0x58: {  	v2 =	vld [tilespmem:s21+$0x20];
	[tilespmem:s22+$0x810 ss:$0x81] =	vst.msk $0xffff, v1  }
0x59: {  	s20 =	sshrl.u32 s20, $0x2;
	v1 =	vld [tilespmem:s21+$0xFFFFFFC0];
	[tilespmem:s22+$0x1020 ss:$0x81] =	vst.msk $0xffff, v5;
	s21 =	sadd.s32 $0x80, s21  }
0x5a: {  	s24 =	simm.s32 $0x4;
	s25 =	simm.s32 $0x8;
	s20 =	sor.u32 $0x8000, s20;
	[tilespmem:s22+$0x1830 ss:$0x81] =	vst.msk $0xffff, v6;
	v0 =	vld [tilespmem:s21+$0x30]  }
.LBB1_3:
0x5b: {  	p1 =	sne.s32 s25, $0x1FC;
	v5 =	vld [tilespmem:s21+$0xFFFFFFD0];
	[tilespmem:s22+$0x2040 ss:$0x81] =	vst.msk $0xffff, v4  }
0x5c: {  	v6 =	vld [tilespmem:s21+$0xFFFFFFE0];
	[tilespmem:s22+$0x2850 ss:$0x81] =	vst.msk $0xffff, v3  }
0x5d: {  	s26 =	sshra.s32 s24, $0x2;
	s24 =	smov.u32 s25;
	v7 =	vld [tilespmem:s21+$0xFFFFFFF0];
	[tilespmem:s22+$0x3060 ss:$0x81] =	vst.msk $0xffff, v2  }
.Ltmp3:
0x5e: {  	v4 =	vld [tilespmem:s21+$0x0];
	[tilespmem:s22+$0x0 ss:$0x81] =	vst.msk $0xffff, v1;
	s22 =	sadd.s32 s26, s23;
	(pc) =	sbr.rel @p1 .LBB1_3-.Ltmp3, $4  }
0x5f: {  	v3 =	vld [tilespmem:s21+$0x10];
	[tilespmem:s22+$0x3870 ss:$0x81] =	vst.msk $0xffff, v0  }
0x60: {  	[tilespmem:s22+$0x810 ss:$0x81] =	vst.msk $0xffff, v5;
	v2 =	vld [tilespmem:s21+$0x20]  }
0x61: {  	v1 =	vld [tilespmem:s21+$0xFFFFFFC0];
	[tilespmem:s22+$0x1020 ss:$0x81] =	vst.msk $0xffff, v6;
	s21 =	sadd.s32 $0x80, s21  }
0x62: {  	s25 =	sadd.s32 $0x4, s25;
	v0 =	vld [tilespmem:s21+$0x30];
	[tilespmem:s22+$0x1830 ss:$0x81] =	vst.msk $0xffff, v7  }
.Ltmp4:
0x63: {  	_ = 	snop;
	(pc) =	sbr.rel .LBB1_4-.Ltmp4, $1  }
0x64: {  	_ =	sdelay $0x3  }
.LBB1_6:
0x65: {  	_ =	sfence.sel $0x180000  }
0x66: {  	s2 =	simm.s32 $0x1;
	[bflag:$0x0] =	sbarrier.arrive $0xFFFF  }
0x67: {  	s31 =	simm.s32 $0x2;
	[sflag:s2] =	ssyncpa.u1 $0x1  }
0x68: {  	[sflag:s31] =	ssyncpa.u1 $0x1  }
0x69: {  	p0 =	sne.s32 s0, $0x0;
	_ =	strace $0x9000004A  }
0x6a: {  	s0 =	sadd.s32 @!p0 $0x100000, s1;
	[bflag:$0x2] =	sbarrier.arrive $0xFFFF  }
0x6b: {  	[sflag:s0] =	ssyncadd.tile.s32 @!p0 $0x1;
	_ =	shalt  }
.Lfunc_end1:
_tile_overlayer_lowered:
.L_overlay_start_2:
0x6c: {  	(tag) =	ssettag $0x2  }
0x6d: {  	s0 =	rddreg [dreg:$0x0];
	s2 =	stileid.u32  }
0x6e: {  	s1 =	rddreg [dreg:$0x1];
	p0 =	sne.s32 s2, $0x0  }
0x6f: {  	s3 =	rddreg [dreg:$0x2];
	[bflag:$0x3] =	sbarrier.arrive $0xFFFF;
	s2 =	simm.s32 @!p0 $0x1C01  }
0x70: {  	[timem:s3], [sflag:s2] =	dma.local @!p0 [hbm:s0], s1  }
0x71: {  	s0 =	simm.s32 @!p0 $0x1  }
0x72: {  	_ =	swait.ge @!p0 [sflag:s0], s1  }
0x73: {  	s1 =	ssub.s32 @!p0 $0x0, s1;
	[sflag:s0] =	ssyncset.done @!p0 $0x0  }
0x74: {  	[sflag:s0] =	ssyncadd.s32 @!p0 s1  }
0x75: {  	[bflag:$0x3] =	sbarrier.arrive $0xFFFF  }
0x76: {  	_ =	shalt  }

</sc_bundles>
